<compile_context>
chip_gen: v7x
topology: tpu7x:2x2x1
jax: 0.10.2.dev20260603
libtpu: 0.0.44.dev20260713+nightly
codegen_flags: <defaults>
</compile_context>

<pallas_src>
import functools

import jax
import jax.numpy as jnp
from jax import lax
from jax.experimental import pallas as pl
from jax.experimental.pallas import tpu as pltpu
from jax.experimental.pallas import tpu_sc as plsc

T = 2048
D = 1024
E = 64
K = 2
F = 512
SF = 1024
C = 256
RSF = 2.5

BC = 256
S_MAX = T * K // BC + E
NROWS = S_MAX * BC + BC
TRASH_ROW = S_MAX * BC
NW = 32
TPW = T // NW
RCH = 256

_f32 = jnp.float32
_i32 = jnp.int32


def _router_body(x_ref, gw_ref, gb_ref,
                 wef_ref, sdest_ref, gsrc_ref, stepe_ref, nsteps_ref,
                 cnt_ref, excl_ref):
    x = x_ref[...]
    gw = gw_ref[...]
    logits = lax.dot_general(x, gw, (((1,), (1,)), ((), ())),
                             preferred_element_type=_f32)
    scores = jax.nn.sigmoid(logits)
    sfc = scores + gb_ref[...]

    eidx = lax.broadcasted_iota(_i32, (T, E), 1)
    m1 = jnp.max(sfc, axis=1, keepdims=True)
    i1 = jnp.min(jnp.where(sfc == m1, eidx, E), axis=1, keepdims=True)
    sfc2 = jnp.where(eidx == i1, -jnp.inf, sfc)
    m2 = jnp.max(sfc2, axis=1, keepdims=True)
    i2 = jnp.min(jnp.where(sfc2 == m2, eidx, E), axis=1, keepdims=True)

    oh1 = (eidx == i1)
    oh2 = (eidx == i2)
    w1 = jnp.sum(jnp.where(oh1, scores, 0.0), axis=1, keepdims=True)
    w2 = jnp.sum(jnp.where(oh2, scores, 0.0), axis=1, keepdims=True)
    wnorm = RSF / (w1 + w2 + 1e-20)

    cnt_ref[...] = oh1.astype(_f32) + oh2.astype(_f32)
    tri = (lax.broadcasted_iota(_i32, (RCH, RCH), 0)
           > lax.broadcasted_iota(_i32, (RCH, RCH), 1)).astype(_f32)

    def _chunk(i, carry):
        chunk = cnt_ref[pl.ds(i * RCH, RCH), :]
        excl_ref[pl.ds(i * RCH, RCH), :] = carry + lax.dot_general(
            tri, chunk, (((1,), (0,)), ((), ())), preferred_element_type=_f32)
        return carry + jnp.sum(chunk, axis=0, keepdims=True)

    cnt = lax.fori_loop(0, T // RCH, _chunk, jnp.zeros((1, E), _f32))
    excl = excl_ref[...]

    pos1 = jnp.sum(jnp.where(oh1, excl, 0.0), axis=1, keepdims=True)
    pos2 = jnp.sum(jnp.where(oh2, excl, 0.0), axis=1, keepdims=True)
    keep1 = pos1 < C
    keep2 = pos2 < C

    cnt_c = jnp.minimum(cnt, float(C))
    nb = jnp.floor((cnt_c + (BC - 1)) * (1.0 / BC))
    upper = (lax.broadcasted_iota(_i32, (E, E), 0)
             < lax.broadcasted_iota(_i32, (E, E), 1)).astype(_f32)
    base = lax.dot_general(nb, upper, (((1,), (0,)), ((), ())),
                           preferred_element_type=_f32)
    nsteps = jnp.sum(nb)

    base_t = jnp.where(oh1, base, 0.0)
    crow1 = jnp.sum(base_t, axis=1, keepdims=True) * BC + pos1
    base_t2 = jnp.where(oh2, base, 0.0)
    crow2 = jnp.sum(base_t2, axis=1, keepdims=True) * BC + pos2

    sdest_ref[:, 0:1] = jnp.where(keep1, crow1, float(TRASH_ROW)).astype(_i32)
    sdest_ref[:, 1:2] = jnp.where(keep2, crow2, float(TRASH_ROW)).astype(_i32)
    gsrc_ref[:, 0:1] = jnp.where(keep1, crow1, 0.0).astype(_i32)
    gsrc_ref[:, 1:2] = jnp.where(keep2, crow2, 0.0).astype(_i32)
    wef_ref[:, 0:1] = jnp.where(keep1, w1 * wnorm, 0.0)
    wef_ref[:, 1:2] = jnp.where(keep2, w2 * wnorm, 0.0)

    cum = base + nb
    eidx1 = lax.broadcasted_iota(_i32, (1, E), 1).astype(_f32)
    lastvalid = jnp.max(jnp.where(cnt_c > 0, eidx1, -1.0))
    eye = (lax.broadcasted_iota(_i32, (E, E), 0)
           == lax.broadcasted_iota(_i32, (E, E), 1)).astype(_f32)
    cum_col = jnp.sum(lax.dot_general(jnp.ones((E, 1), _f32), cum,
                                      (((1,), (0,)), ((), ())),
                                      preferred_element_type=_f32) * eye,
                      axis=1, keepdims=True)
    scol = lax.broadcasted_iota(_i32, (E, S_MAX), 1).astype(_f32)
    raw = jnp.sum((cum_col <= scol).astype(_f32), axis=0, keepdims=True)
    srow = lax.broadcasted_iota(_i32, (1, S_MAX), 1).astype(_f32)
    stepe_ref[...] = jnp.where(srow < nsteps, raw, lastvalid).astype(_i32)
    nsteps_ref[...] = jnp.full((1, 1), nsteps, _f32).astype(_i32)


_router = pl.pallas_call(
    _router_body,
    out_shape=(
        jax.ShapeDtypeStruct((T, K), _f32),
        jax.ShapeDtypeStruct((T, K), _i32),
        jax.ShapeDtypeStruct((T, K), _i32),
        jax.ShapeDtypeStruct((1, S_MAX), _i32),
        jax.ShapeDtypeStruct((1, 1), _i32),
    ),
    scratch_shapes=[
        pltpu.VMEM((T, E), _f32),
        pltpu.VMEM((T, E), _f32),
    ],
)


def _sc_dispatch_body(x_hbm, sdest_hbm, xs_hbm, rows_v, idx_v, sem):
    wid = lax.axis_index("s") * 2 + lax.axis_index("c")
    base = wid * TPW
    pltpu.sync_copy(x_hbm.at[pl.ds(base, TPW)], rows_v)
    pltpu.sync_copy(sdest_hbm.at[wid], idx_v)
    pltpu.async_copy(rows_v, xs_hbm.at[idx_v.at[0]], sem).wait()
    pltpu.async_copy(rows_v, xs_hbm.at[idx_v.at[1]], sem).wait()


def _sc_combine_body(oc_hbm, gsrc_hbm, ok0_hbm, ok1_hbm, rows_v, idx_v, sem):
    wid = lax.axis_index("s") * 2 + lax.axis_index("c")
    base = wid * TPW
    pltpu.sync_copy(gsrc_hbm.at[wid], idx_v)
    pltpu.async_copy(oc_hbm.at[idx_v.at[0]], rows_v, sem).wait()
    pltpu.sync_copy(rows_v, ok0_hbm.at[pl.ds(base, TPW)])
    pltpu.async_copy(oc_hbm.at[idx_v.at[1]], rows_v, sem).wait()
    pltpu.sync_copy(rows_v, ok1_hbm.at[pl.ds(base, TPW)])


@functools.cache
def _sc_kernels():
    mesh = plsc.VectorSubcoreMesh(core_axis_name="c", subcore_axis_name="s")
    scratch = [
        pltpu.VMEM((TPW, D), _f32),
        pltpu.VMEM((K, TPW), _i32),
        pltpu.SemaphoreType.DMA,
    ]
    dispatch = pl.kernel(
        _sc_dispatch_body,
        out_type=jax.ShapeDtypeStruct((NROWS, D), _f32),
        mesh=mesh,
        scratch_types=scratch,
    )
    combine = pl.kernel(
        _sc_combine_body,
        out_type=(jax.ShapeDtypeStruct((T, D), _f32),
                  jax.ShapeDtypeStruct((T, D), _f32)),
        mesh=mesh,
        scratch_types=scratch,
    )
    return dispatch, combine


def _mm_body(se_ref, ns_ref, xs_ref, wg_ref, wu_ref, wd_ref, o_ref):
    s = pl.program_id(0)

    @pl.when(s < ns_ref[0])
    def _():
        xb = xs_ref[...]
        g = lax.dot_general(xb, wg_ref[0], (((1,), (1,)), ((), ())),
                            preferred_element_type=_f32)
        u = lax.dot_general(xb, wu_ref[0], (((1,), (1,)), ((), ())),
                            preferred_element_type=_f32)
        h = (g * jax.nn.sigmoid(g)) * u
        o_ref[...] = lax.dot_general(h, wd_ref[0], (((1,), (1,)), ((), ())),
                                     preferred_element_type=_f32)


def _rows_idx(s, se, ns):
    return (jnp.where(s < ns[0], s, S_MAX), 0)


def _w_idx(s, se, ns):
    return (se[s], 0, 0)


_mm = pl.pallas_call(
    _mm_body,
    grid_spec=pltpu.PrefetchScalarGridSpec(
        num_scalar_prefetch=2,
        grid=(S_MAX,),
        in_specs=[
            pl.BlockSpec((BC, D), _rows_idx),
            pl.BlockSpec((1, F, D), _w_idx),
            pl.BlockSpec((1, F, D), _w_idx),
            pl.BlockSpec((1, D, F), _w_idx),
        ],
        out_specs=pl.BlockSpec((BC, D), _rows_idx),
    ),
    out_shape=jax.ShapeDtypeStruct((NROWS, D), _f32),
    compiler_params=pltpu.CompilerParams(dimension_semantics=("arbitrary",)),
)


TB = 256


def _combine_body(x_ref, wsg_ref, wsu_ref, wsd_ref, ok0_ref, ok1_ref, wef_ref,
                  y_ref):
    xb = x_ref[...]
    g = lax.dot_general(xb, wsg_ref[...], (((1,), (1,)), ((), ())),
                        preferred_element_type=_f32)
    u = lax.dot_general(xb, wsu_ref[...], (((1,), (1,)), ((), ())),
                        preferred_element_type=_f32)
    hs = (g * jax.nn.sigmoid(g)) * u
    ysh = lax.dot_general(hs, wsd_ref[...], (((1,), (1,)), ((), ())),
                          preferred_element_type=_f32)
    w0 = wef_ref[:, 0:1]
    w1 = wef_ref[:, 1:2]
    y_ref[...] = ysh + w0 * ok0_ref[...] + w1 * ok1_ref[...]


_combine = pl.pallas_call(
    _combine_body,
    grid=(T // TB,),
    in_specs=[
        pl.BlockSpec((TB, D), lambda s: (s, 0)),
        pl.BlockSpec((SF, D), lambda s: (0, 0)),
        pl.BlockSpec((SF, D), lambda s: (0, 0)),
        pl.BlockSpec((D, SF), lambda s: (0, 0)),
        pl.BlockSpec((TB, D), lambda s: (s, 0)),
        pl.BlockSpec((TB, D), lambda s: (s, 0)),
        pl.BlockSpec((TB, K), lambda s: (s, 0)),
    ],
    out_shape=jax.ShapeDtypeStruct((T, D), _f32),
    out_specs=pl.BlockSpec((TB, D), lambda s: (s, 0)),
)


def kernel(x, gate_w, gate_bias, w_gate, w_up, w_down,
           ws_gate, ws_up, ws_down):
    wef, sdest_tk, gsrc_tk, stepe2, nsteps2 = _router(
        x, gate_w, gate_bias.reshape(1, E))
    sdest = sdest_tk.reshape(NW, TPW, K).transpose(0, 2, 1)
    gsrc = gsrc_tk.reshape(NW, TPW, K).transpose(0, 2, 1)
    step_e = stepe2.reshape(S_MAX)
    nsteps = nsteps2.reshape(1)

    sc_dispatch, sc_combine = _sc_kernels()
    xs = sc_dispatch(x, sdest)
    oc = _mm(step_e, nsteps, xs, w_gate, w_up, w_down)
    ok0, ok1 = sc_combine(oc, gsrc)
    return _combine(x, ws_gate, ws_up, ws_down, ok0, ok1, wef)

# --- scband reference (transcript-rebuilt; emitter-appended) ---
"""Pipeline reference for scband-flash-deepseek-layer-64699387347303 (READ-ONLY COPY).

The authoritative reference and input builder live on the scoring server;
editing this copy changes nothing except your own understanding.
"""

import jax, jax.numpy as jnp
import numpy as np

T = 2048      # tokens (batch=1, seq_len=2048)
D = 1024      # hidden_size
E = 64        # n_routed_experts
K = 2         # num_experts_per_tok
F = 512       # moe_intermediate_size
SF = 1024     # shared expert intermediate (n_shared_experts=2 * F)
C = 256       # per-expert capacity (4x average load T*K/E=64; dropless in practice)
RSF = 2.5     # routed_scaling_factor


def setup_inputs(seed: int = 0) -> dict:
    key = jax.random.key(seed)
    ks = jax.random.split(key, 10)
    s_d = 1.0 / np.sqrt(D)
    s_f = 1.0 / np.sqrt(F)
    s_sf = 1.0 / np.sqrt(SF)
    return {
        "x": jax.random.normal(ks[0], (T, D), jnp.float32),
        "gate_w": jax.random.normal(ks[1], (E, D), jnp.float32) * s_d,
        "gate_bias": jax.random.normal(ks[2], (E,), jnp.float32) * 0.01,  # e_score_correction_bias
        "w_gate": jax.random.normal(ks[3], (E, F, D), jnp.float32) * s_d,
        "w_up": jax.random.normal(ks[4], (E, F, D), jnp.float32) * s_d,
        "w_down": jax.random.normal(ks[5], (E, D, F), jnp.float32) * s_f,
        "ws_gate": jax.random.normal(ks[6], (SF, D), jnp.float32) * s_d,
        "ws_up": jax.random.normal(ks[7], (SF, D), jnp.float32) * s_d,
        "ws_down": jax.random.normal(ks[8], (D, SF), jnp.float32) * s_sf,
    }


def _moe(x, gate_w, gate_bias, w_gate, w_up, w_down, ws_gate, ws_up, ws_down):
    # --- router (noaux_tc: sigmoid scores + correction bias for selection only) ---
    logits = x @ gate_w.T                                  # [T, E]
    scores = jax.nn.sigmoid(logits)
    scores_for_choice = scores + gate_bias[None, :]
    _, topk_idx = jax.lax.top_k(scores_for_choice, K)      # [T, K]
    topk_w = jnp.take_along_axis(scores, topk_idx, axis=1) # weights come from uncorrected scores
    topk_w = topk_w / (jnp.sum(topk_w, axis=1, keepdims=True) + 1e-20)  # norm_topk_prob

    # --- capacity-based dispatch (scatter to [E, C] slots) ---
    flat_e = topk_idx.reshape(-1)                          # [T*K]
    flat_w = topk_w.reshape(-1)                            # [T*K]
    onehot = jax.nn.one_hot(flat_e, E, dtype=jnp.int32)    # [T*K, E]
    pos = jnp.cumsum(onehot, axis=0) - 1
    pos_in_e = jnp.sum(pos * onehot, axis=1)               # [T*K]
    keep = pos_in_e < C
    keep_f = keep.astype(x.dtype)[:, None]
    dest = jnp.where(keep, flat_e * C + pos_in_e, 0)
    tok_ids = jnp.repeat(jnp.arange(T), K)
    xs = x[tok_ids] * keep_f                               # gather tokens
    buf = jnp.zeros((E * C, D), x.dtype).at[dest].add(xs)  # scatter-add into expert slots
    buf = buf.reshape(E, C, D)

    # --- expert MLPs (SiLU-gated) ---
    g = jnp.einsum('ecd,efd->ecf', buf, w_gate)
    u = jnp.einsum('ecd,efd->ecf', buf, w_up)
    h = jax.nn.silu(g) * u
    o = jnp.einsum('ecf,edf->ecd', h, w_down).reshape(E * C, D)

    # --- combine ---
    gathered = o[dest] * keep_f                            # [T*K, D]
    y_routed = (gathered * flat_w[:, None]).reshape(T, K, D).sum(axis=1) * RSF

    # --- shared experts ---
    hs = jax.nn.silu(x @ ws_gate.T) * (x @ ws_up.T)
    y_shared = hs @ ws_down.T
    return y_routed + y_shared


def reference(x, gate_w, gate_bias, w_gate, w_up, w_down, ws_gate, ws_up, ws_down):
    return _moe(x, gate_w, gate_bias, w_gate, w_up, w_down, ws_gate, ws_up, ws_down)

if __name__ == "__main__":
    import jax
    _d = setup_inputs()
    print(jax.jit(kernel)(*tuple(_d.values())))

</pallas_src>

<mosaic_0001>
#map = affine_map<(d0, d1) -> (0, 0)>
#map1 = affine_map<(d0, d1) -> (0, 0, 0)>
module attributes {stable_mosaic.version = 14 : i64} {
  func.func @_sc_combine_body(%arg0: i32, %arg1: i32, %arg2: memref<20736x1024xf32, #tpu.memory_space<hbm>>, %arg3: memref<32x2x64xi32, #tpu.memory_space<hbm>>, %arg4: memref<2048x1024xf32, #tpu.memory_space<hbm>>, %arg5: memref<2048x1024xf32, #tpu.memory_space<hbm>>, %arg6: memref<64x1024xf32, #tpu.memory_space<vmem>>, %arg7: memref<2x64xi32, #tpu.memory_space<vmem>>, %arg8: memref<!tpu.dma_semaphore, #tpu.memory_space<semaphore_mem>>) attributes {dimension_semantics = [#tpu.dimension_semantics<core_parallel>, #tpu.dimension_semantics<subcore_parallel>], iteration_bounds = array<i64: 2, 16>, scalar_prefetch = 0 : i64, scratch_operands = 3 : i64, tpu.core_type = #tpu.core_type<sc_vector_subcore>, window_params = [{transform_indices = #map}, {transform_indices = #map1}, {transform_indices = #map}, {transform_indices = #map}]} {
    %mul3A = arith.constant 2 : i32
    %mul3A_0 = arith.muli %arg1, %mul3A : i32
    %add3A = arith.addi %mul3A_0, %arg0 : i32
    %mul3A_1 = arith.constant 64 : i32
    %mul3A_2 = arith.muli %add3A, %mul3A_1 : i32
    "tpu.region"() ({
      %run_scoped3A = tpu.sem_alloc : memref<!tpu.dma_semaphore, #tpu.memory_space<semaphore_mem>>
      %dma_start3A_29 = arith.constant 0 : i32
      %dma_start3A_30 = arith.constant 0 : i32
      %dma_start3A_31 = tpu.memref_slice %arg3[%add3A, %dma_start3A_29, %dma_start3A_30] : memref<32x2x64xi32, #tpu.memory_space<hbm>> -> memref<1x2x64xi32, #tpu.memory_space<hbm>>
      %dma_start3A_32 = tpu.memref_squeeze %dma_start3A_31 : memref<1x2x64xi32, #tpu.memory_space<hbm>> -> memref<2x64xi32, #tpu.memory_space<hbm>>
      %dma_start3A_33 = arith.constant 0 : i32
      %dma_start3A_34 = arith.constant 0 : i32
      %dma_start3A_35 = tpu.memref_slice %arg3[%add3A, %dma_start3A_33, %dma_start3A_34] : memref<32x2x64xi32, #tpu.memory_space<hbm>> -> memref<1x2x64xi32, #tpu.memory_space<hbm>>
      %dma_start3A_36 = tpu.memref_squeeze %dma_start3A_35 : memref<1x2x64xi32, #tpu.memory_space<hbm>> -> memref<2x64xi32, #tpu.memory_space<hbm>>
      tpu.enqueue_dma source(%dma_start3A_36 : memref<2x64xi32, #tpu.memory_space<hbm>>) target(%arg7 : memref<2x64xi32, #tpu.memory_space<vmem>>) target_semaphore(%run_scoped3A : memref<!tpu.dma_semaphore, #tpu.memory_space<semaphore_mem>>)
      %dma_wait3A_37 = arith.constant 0 : i32
      %dma_wait3A_38 = arith.constant 0 : i32
      %dma_wait3A_39 = tpu.memref_slice %arg3[%add3A, %dma_wait3A_37, %dma_wait3A_38] : memref<32x2x64xi32, #tpu.memory_space<hbm>> -> memref<1x2x64xi32, #tpu.memory_space<hbm>>
      %dma_wait3A_40 = tpu.memref_squeeze %dma_wait3A_39 : memref<1x2x64xi32, #tpu.memory_space<hbm>> -> memref<2x64xi32, #tpu.memory_space<hbm>>
      %dma_wait3A_41 = arith.constant 0 : i32
      %dma_wait3A_42 = arith.constant 0 : i32
      %dma_wait3A_43 = tpu.memref_slice %arg3[%add3A, %dma_wait3A_41, %dma_wait3A_42] : memref<32x2x64xi32, #tpu.memory_space<hbm>> -> memref<1x2x64xi32, #tpu.memory_space<hbm>>
      %dma_wait3A_44 = tpu.memref_squeeze %dma_wait3A_43 : memref<1x2x64xi32, #tpu.memory_space<hbm>> -> memref<2x64xi32, #tpu.memory_space<hbm>>
      tpu.wait_dma2 semaphore(%run_scoped3A : memref<!tpu.dma_semaphore, #tpu.memory_space<semaphore_mem>>) src(%dma_wait3A_44 : memref<2x64xi32, #tpu.memory_space<hbm>>) dst(%arg7 : memref<2x64xi32, #tpu.memory_space<vmem>>)
      tpu.yield
    }) : () -> ()
    %dma_start3A = arith.constant 0 : i32
    %dma_start3A_3 = arith.constant 0 : i32
    %dma_start3A_4 = tpu.memref_slice %arg7[%dma_start3A, %dma_start3A_3] : memref<2x64xi32, #tpu.memory_space<vmem>> -> memref<1x64xi32, #tpu.memory_space<vmem>>
    %dma_start3A_5 = tpu.memref_squeeze %dma_start3A_4 : memref<1x64xi32, #tpu.memory_space<vmem>> -> memref<64xi32, #tpu.memory_space<vmem>>
    %dma_start3A_6 = arith.constant 0 : i32
    %dma_start3A_7 = arith.constant 0 : i32
    %dma_start3A_8 = tpu.memref_slice %arg2[%dma_start3A_6, %dma_start3A_7] : memref<20736x1024xf32, #tpu.memory_space<hbm>> -> memref<20736x1024xf32, #tpu.memory_space<hbm>>
    tpu.enqueue_indirect_dma source(%dma_start3A_8 : memref<20736x1024xf32, #tpu.memory_space<hbm>>) target(%arg6 : memref<64x1024xf32, #tpu.memory_space<vmem>>) offsets(%dma_start3A_5 : memref<64xi32, #tpu.memory_space<vmem>>) semaphore(%arg8 : memref<!tpu.dma_semaphore, #tpu.memory_space<semaphore_mem>>)
    %dma_wait3A = arith.constant 0 : i32
    %dma_wait3A_9 = arith.constant 0 : i32
    %dma_wait3A_10 = tpu.memref_slice %arg7[%dma_wait3A, %dma_wait3A_9] : memref<2x64xi32, #tpu.memory_space<vmem>> -> memref<1x64xi32, #tpu.memory_space<vmem>>
    %dma_wait3A_11 = tpu.memref_squeeze %dma_wait3A_10 : memref<1x64xi32, #tpu.memory_space<vmem>> -> memref<64xi32, #tpu.memory_space<vmem>>
    %dma_wait3A_12 = arith.constant 0 : i32
    %dma_wait3A_13 = arith.constant 0 : i32
    %dma_wait3A_14 = tpu.memref_slice %arg2[%dma_wait3A_12, %dma_wait3A_13] : memref<20736x1024xf32, #tpu.memory_space<hbm>> -> memref<20736x1024xf32, #tpu.memory_space<hbm>>
    tpu.wait_indirect_dma semaphore(%arg8 : memref<!tpu.dma_semaphore, #tpu.memory_space<semaphore_mem>>) src(%dma_wait3A_14 : memref<20736x1024xf32, #tpu.memory_space<hbm>>) dst(%arg6 : memref<64x1024xf32, #tpu.memory_space<vmem>>)
    "tpu.region"() ({
      %run_scoped3A = tpu.sem_alloc : memref<!tpu.dma_semaphore, #tpu.memory_space<semaphore_mem>>
      %dma_start3A_29 = arith.constant 0 : i32
      %dma_start3A_30 = tpu.memref_slice %arg4[%mul3A_2, %dma_start3A_29] : memref<2048x1024xf32, #tpu.memory_space<hbm>> -> memref<64x1024xf32, #tpu.memory_space<hbm>>
      %dma_start3A_31 = arith.constant 0 : i32
      %dma_start3A_32 = tpu.memref_slice %arg4[%mul3A_2, %dma_start3A_31] : memref<2048x1024xf32, #tpu.memory_space<hbm>> -> memref<64x1024xf32, #tpu.memory_space<hbm>>
      tpu.enqueue_dma source(%arg6 : memref<64x1024xf32, #tpu.memory_space<vmem>>) target(%dma_start3A_32 : memref<64x1024xf32, #tpu.memory_space<hbm>>) target_semaphore(%run_scoped3A : memref<!tpu.dma_semaphore, #tpu.memory_space<semaphore_mem>>)
      %dma_wait3A_33 = arith.constant 0 : i32
      %dma_wait3A_34 = tpu.memref_slice %arg4[%mul3A_2, %dma_wait3A_33] : memref<2048x1024xf32, #tpu.memory_space<hbm>> -> memref<64x1024xf32, #tpu.memory_space<hbm>>
      %dma_wait3A_35 = arith.constant 0 : i32
      %dma_wait3A_36 = tpu.memref_slice %arg4[%mul3A_2, %dma_wait3A_35] : memref<2048x1024xf32, #tpu.memory_space<hbm>> -> memref<64x1024xf32, #tpu.memory_space<hbm>>
      tpu.wait_dma2 semaphore(%run_scoped3A : memref<!tpu.dma_semaphore, #tpu.memory_space<semaphore_mem>>) src(%arg6 : memref<64x1024xf32, #tpu.memory_space<vmem>>) dst(%dma_wait3A_36 : memref<64x1024xf32, #tpu.memory_space<hbm>>)
      tpu.yield
    }) : () -> ()
    %dma_start3A_15 = arith.constant 1 : i32
    %dma_start3A_16 = arith.constant 0 : i32
    %dma_start3A_17 = tpu.memref_slice %arg7[%dma_start3A_15, %dma_start3A_16] : memref<2x64xi32, #tpu.memory_space<vmem>> -> memref<1x64xi32, #tpu.memory_space<vmem>>
    %dma_start3A_18 = tpu.memref_squeeze %dma_start3A_17 : memref<1x64xi32, #tpu.memory_space<vmem>> -> memref<64xi32, #tpu.memory_space<vmem>>
    %dma_start3A_19 = arith.constant 0 : i32
    %dma_start3A_20 = arith.constant 0 : i32
    %dma_start3A_21 = tpu.memref_slice %arg2[%dma_start3A_19, %dma_start3A_20] : memref<20736x1024xf32, #tpu.memory_space<hbm>> -> memref<20736x1024xf32, #tpu.memory_space<hbm>>
    tpu.enqueue_indirect_dma source(%dma_start3A_21 : memref<20736x1024xf32, #tpu.memory_space<hbm>>) target(%arg6 : memref<64x1024xf32, #tpu.memory_space<vmem>>) offsets(%dma_start3A_18 : memref<64xi32, #tpu.memory_space<vmem>>) semaphore(%arg8 : memref<!tpu.dma_semaphore, #tpu.memory_space<semaphore_mem>>)
    %dma_wait3A_22 = arith.constant 1 : i32
    %dma_wait3A_23 = arith.constant 0 : i32
    %dma_wait3A_24 = tpu.memref_slice %arg7[%dma_wait3A_22, %dma_wait3A_23] : memref<2x64xi32, #tpu.memory_space<vmem>> -> memref<1x64xi32, #tpu.memory_space<vmem>>
    %dma_wait3A_25 = tpu.memref_squeeze %dma_wait3A_24 : memref<1x64xi32, #tpu.memory_space<vmem>> -> memref<64xi32, #tpu.memory_space<vmem>>
    %dma_wait3A_26 = arith.constant 0 : i32
    %dma_wait3A_27 = arith.constant 0 : i32
    %dma_wait3A_28 = tpu.memref_slice %arg2[%dma_wait3A_26, %dma_wait3A_27] : memref<20736x1024xf32, #tpu.memory_space<hbm>> -> memref<20736x1024xf32, #tpu.memory_space<hbm>>
    tpu.wait_indirect_dma semaphore(%arg8 : memref<!tpu.dma_semaphore, #tpu.memory_space<semaphore_mem>>) src(%dma_wait3A_28 : memref<20736x1024xf32, #tpu.memory_space<hbm>>) dst(%arg6 : memref<64x1024xf32, #tpu.memory_space<vmem>>)
    "tpu.region"() ({
      %run_scoped3A = tpu.sem_alloc : memref<!tpu.dma_semaphore, #tpu.memory_space<semaphore_mem>>
      %dma_start3A_29 = arith.constant 0 : i32
      %dma_start3A_30 = tpu.memref_slice %arg5[%mul3A_2, %dma_start3A_29] : memref<2048x1024xf32, #tpu.memory_space<hbm>> -> memref<64x1024xf32, #tpu.memory_space<hbm>>
      %dma_start3A_31 = arith.constant 0 : i32
      %dma_start3A_32 = tpu.memref_slice %arg5[%mul3A_2, %dma_start3A_31] : memref<2048x1024xf32, #tpu.memory_space<hbm>> -> memref<64x1024xf32, #tpu.memory_space<hbm>>
      tpu.enqueue_dma source(%arg6 : memref<64x1024xf32, #tpu.memory_space<vmem>>) target(%dma_start3A_32 : memref<64x1024xf32, #tpu.memory_space<hbm>>) target_semaphore(%run_scoped3A : memref<!tpu.dma_semaphore, #tpu.memory_space<semaphore_mem>>)
      %dma_wait3A_33 = arith.constant 0 : i32
      %dma_wait3A_34 = tpu.memref_slice %arg5[%mul3A_2, %dma_wait3A_33] : memref<2048x1024xf32, #tpu.memory_space<hbm>> -> memref<64x1024xf32, #tpu.memory_space<hbm>>
      %dma_wait3A_35 = arith.constant 0 : i32
      %dma_wait3A_36 = tpu.memref_slice %arg5[%mul3A_2, %dma_wait3A_35] : memref<2048x1024xf32, #tpu.memory_space<hbm>> -> memref<64x1024xf32, #tpu.memory_space<hbm>>
      tpu.wait_dma2 semaphore(%run_scoped3A : memref<!tpu.dma_semaphore, #tpu.memory_space<semaphore_mem>>) src(%arg6 : memref<64x1024xf32, #tpu.memory_space<vmem>>) dst(%dma_wait3A_36 : memref<64x1024xf32, #tpu.memory_space<hbm>>)
      tpu.yield
    }) : () -> ()
    return
  }
}

#map = affine_map<(d0, d1) -> (0, 0)>
#map1 = affine_map<(d0, d1) -> (0, 0, 0)>
module attributes {stable_mosaic.version = 14 : i64} {
  func.func @_sc_dispatch_body(%arg0: i32, %arg1: i32, %arg2: memref<2048x1024xf32, #tpu.memory_space<hbm>>, %arg3: memref<32x2x64xi32, #tpu.memory_space<hbm>>, %arg4: memref<20736x1024xf32, #tpu.memory_space<hbm>>, %arg5: memref<64x1024xf32, #tpu.memory_space<vmem>>, %arg6: memref<2x64xi32, #tpu.memory_space<vmem>>, %arg7: memref<!tpu.dma_semaphore, #tpu.memory_space<semaphore_mem>>) attributes {dimension_semantics = [#tpu.dimension_semantics<core_parallel>, #tpu.dimension_semantics<subcore_parallel>], iteration_bounds = array<i64: 2, 16>, scalar_prefetch = 0 : i64, scratch_operands = 3 : i64, tpu.core_type = #tpu.core_type<sc_vector_subcore>, window_params = [{transform_indices = #map}, {transform_indices = #map1}, {transform_indices = #map}]} {
    %mul3A = arith.constant 2 : i32
    %mul3A_0 = arith.muli %arg1, %mul3A : i32
    %add3A = arith.addi %mul3A_0, %arg0 : i32
    %mul3A_1 = arith.constant 64 : i32
    %mul3A_2 = arith.muli %add3A, %mul3A_1 : i32
    "tpu.region"() ({
      %run_scoped3A = tpu.sem_alloc : memref<!tpu.dma_semaphore, #tpu.memory_space<semaphore_mem>>
      %dma_start3A_29 = arith.constant 0 : i32
      %dma_start3A_30 = tpu.memref_slice %arg2[%mul3A_2, %dma_start3A_29] : memref<2048x1024xf32, #tpu.memory_space<hbm>> -> memref<64x1024xf32, #tpu.memory_space<hbm>>
      %dma_start3A_31 = arith.constant 0 : i32
      %dma_start3A_32 = tpu.memref_slice %arg2[%mul3A_2, %dma_start3A_31] : memref<2048x1024xf32, #tpu.memory_space<hbm>> -> memref<64x1024xf32, #tpu.memory_space<hbm>>
      tpu.enqueue_dma source(%dma_start3A_32 : memref<64x1024xf32, #tpu.memory_space<hbm>>) target(%arg5 : memref<64x1024xf32, #tpu.memory_space<vmem>>) target_semaphore(%run_scoped3A : memref<!tpu.dma_semaphore, #tpu.memory_space<semaphore_mem>>)
      %dma_wait3A_33 = arith.constant 0 : i32
      %dma_wait3A_34 = tpu.memref_slice %arg2[%mul3A_2, %dma_wait3A_33] : memref<2048x1024xf32, #tpu.memory_space<hbm>> -> memref<64x1024xf32, #tpu.memory_space<hbm>>
      %dma_wait3A_35 = arith.constant 0 : i32
      %dma_wait3A_36 = tpu.memref_slice %arg2[%mul3A_2, %dma_wait3A_35] : memref<2048x1024xf32, #tpu.memory_space<hbm>> -> memref<64x1024xf32, #tpu.memory_space<hbm>>
      tpu.wait_dma2 semaphore(%run_scoped3A : memref<!tpu.dma_semaphore, #tpu.memory_space<semaphore_mem>>) src(%dma_wait3A_36 : memref<64x1024xf32, #tpu.memory_space<hbm>>) dst(%arg5 : memref<64x1024xf32, #tpu.memory_space<vmem>>)
      tpu.yield
    }) : () -> ()
    "tpu.region"() ({
      %run_scoped3A = tpu.sem_alloc : memref<!tpu.dma_semaphore, #tpu.memory_space<semaphore_mem>>
      %dma_start3A_29 = arith.constant 0 : i32
      %dma_start3A_30 = arith.constant 0 : i32
      %dma_start3A_31 = tpu.memref_slice %arg3[%add3A, %dma_start3A_29, %dma_start3A_30] : memref<32x2x64xi32, #tpu.memory_space<hbm>> -> memref<1x2x64xi32, #tpu.memory_space<hbm>>
      %dma_start3A_32 = tpu.memref_squeeze %dma_start3A_31 : memref<1x2x64xi32, #tpu.memory_space<hbm>> -> memref<2x64xi32, #tpu.memory_space<hbm>>
      %dma_start3A_33 = arith.constant 0 : i32
      %dma_start3A_34 = arith.constant 0 : i32
      %dma_start3A_35 = tpu.memref_slice %arg3[%add3A, %dma_start3A_33, %dma_start3A_34] : memref<32x2x64xi32, #tpu.memory_space<hbm>> -> memref<1x2x64xi32, #tpu.memory_space<hbm>>
      %dma_start3A_36 = tpu.memref_squeeze %dma_start3A_35 : memref<1x2x64xi32, #tpu.memory_space<hbm>> -> memref<2x64xi32, #tpu.memory_space<hbm>>
      tpu.enqueue_dma source(%dma_start3A_36 : memref<2x64xi32, #tpu.memory_space<hbm>>) target(%arg6 : memref<2x64xi32, #tpu.memory_space<vmem>>) target_semaphore(%run_scoped3A : memref<!tpu.dma_semaphore, #tpu.memory_space<semaphore_mem>>)
      %dma_wait3A_37 = arith.constant 0 : i32
      %dma_wait3A_38 = arith.constant 0 : i32
      %dma_wait3A_39 = tpu.memref_slice %arg3[%add3A, %dma_wait3A_37, %dma_wait3A_38] : memref<32x2x64xi32, #tpu.memory_space<hbm>> -> memref<1x2x64xi32, #tpu.memory_space<hbm>>
      %dma_wait3A_40 = tpu.memref_squeeze %dma_wait3A_39 : memref<1x2x64xi32, #tpu.memory_space<hbm>> -> memref<2x64xi32, #tpu.memory_space<hbm>>
      %dma_wait3A_41 = arith.constant 0 : i32
      %dma_wait3A_42 = arith.constant 0 : i32
      %dma_wait3A_43 = tpu.memref_slice %arg3[%add3A, %dma_wait3A_41, %dma_wait3A_42] : memref<32x2x64xi32, #tpu.memory_space<hbm>> -> memref<1x2x64xi32, #tpu.memory_space<hbm>>
      %dma_wait3A_44 = tpu.memref_squeeze %dma_wait3A_43 : memref<1x2x64xi32, #tpu.memory_space<hbm>> -> memref<2x64xi32, #tpu.memory_space<hbm>>
      tpu.wait_dma2 semaphore(%run_scoped3A : memref<!tpu.dma_semaphore, #tpu.memory_space<semaphore_mem>>) src(%dma_wait3A_44 : memref<2x64xi32, #tpu.memory_space<hbm>>) dst(%arg6 : memref<2x64xi32, #tpu.memory_space<vmem>>)
      tpu.yield
    }) : () -> ()
    %dma_start3A = arith.constant 0 : i32
    %dma_start3A_3 = arith.constant 0 : i32
    %dma_start3A_4 = tpu.memref_slice %arg6[%dma_start3A, %dma_start3A_3] : memref<2x64xi32, #tpu.memory_space<vmem>> -> memref<1x64xi32, #tpu.memory_space<vmem>>
    %dma_start3A_5 = tpu.memref_squeeze %dma_start3A_4 : memref<1x64xi32, #tpu.memory_space<vmem>> -> memref<64xi32, #tpu.memory_space<vmem>>
    %dma_start3A_6 = arith.constant 0 : i32
    %dma_start3A_7 = arith.constant 0 : i32
    %dma_start3A_8 = tpu.memref_slice %arg4[%dma_start3A_6, %dma_start3A_7] : memref<20736x1024xf32, #tpu.memory_space<hbm>> -> memref<20736x1024xf32, #tpu.memory_space<hbm>>
    tpu.enqueue_indirect_dma source(%arg5 : memref<64x1024xf32, #tpu.memory_space<vmem>>) target(%dma_start3A_8 : memref<20736x1024xf32, #tpu.memory_space<hbm>>) offsets(%dma_start3A_5 : memref<64xi32, #tpu.memory_space<vmem>>) semaphore(%arg7 : memref<!tpu.dma_semaphore, #tpu.memory_space<semaphore_mem>>)
    %dma_wait3A = arith.constant 0 : i32
    %dma_wait3A_9 = arith.constant 0 : i32
    %dma_wait3A_10 = tpu.memref_slice %arg6[%dma_wait3A, %dma_wait3A_9] : memref<2x64xi32, #tpu.memory_space<vmem>> -> memref<1x64xi32, #tpu.memory_space<vmem>>
    %dma_wait3A_11 = tpu.memref_squeeze %dma_wait3A_10 : memref<1x64xi32, #tpu.memory_space<vmem>> -> memref<64xi32, #tpu.memory_space<vmem>>
    %dma_wait3A_12 = arith.constant 0 : i32
    %dma_wait3A_13 = arith.constant 0 : i32
    %dma_wait3A_14 = tpu.memref_slice %arg4[%dma_wait3A_12, %dma_wait3A_13] : memref<20736x1024xf32, #tpu.memory_space<hbm>> -> memref<20736x1024xf32, #tpu.memory_space<hbm>>
    tpu.wait_indirect_dma semaphore(%arg7 : memref<!tpu.dma_semaphore, #tpu.memory_space<semaphore_mem>>) src(%arg5 : memref<64x1024xf32, #tpu.memory_space<vmem>>) dst(%dma_wait3A_14 : memref<20736x1024xf32, #tpu.memory_space<hbm>>)
    %dma_start3A_15 = arith.constant 1 : i32
    %dma_start3A_16 = arith.constant 0 : i32
    %dma_start3A_17 = tpu.memref_slice %arg6[%dma_start3A_15, %dma_start3A_16] : memref<2x64xi32, #tpu.memory_space<vmem>> -> memref<1x64xi32, #tpu.memory_space<vmem>>
    %dma_start3A_18 = tpu.memref_squeeze %dma_start3A_17 : memref<1x64xi32, #tpu.memory_space<vmem>> -> memref<64xi32, #tpu.memory_space<vmem>>
    %dma_start3A_19 = arith.constant 0 : i32
    %dma_start3A_20 = arith.constant 0 : i32
    %dma_start3A_21 = tpu.memref_slice %arg4[%dma_start3A_19, %dma_start3A_20] : memref<20736x1024xf32, #tpu.memory_space<hbm>> -> memref<20736x1024xf32, #tpu.memory_space<hbm>>
    tpu.enqueue_indirect_dma source(%arg5 : memref<64x1024xf32, #tpu.memory_space<vmem>>) target(%dma_start3A_21 : memref<20736x1024xf32, #tpu.memory_space<hbm>>) offsets(%dma_start3A_18 : memref<64xi32, #tpu.memory_space<vmem>>) semaphore(%arg7 : memref<!tpu.dma_semaphore, #tpu.memory_space<semaphore_mem>>)
    %dma_wait3A_22 = arith.constant 1 : i32
    %dma_wait3A_23 = arith.constant 0 : i32
    %dma_wait3A_24 = tpu.memref_slice %arg6[%dma_wait3A_22, %dma_wait3A_23] : memref<2x64xi32, #tpu.memory_space<vmem>> -> memref<1x64xi32, #tpu.memory_space<vmem>>
    %dma_wait3A_25 = tpu.memref_squeeze %dma_wait3A_24 : memref<1x64xi32, #tpu.memory_space<vmem>> -> memref<64xi32, #tpu.memory_space<vmem>>
    %dma_wait3A_26 = arith.constant 0 : i32
    %dma_wait3A_27 = arith.constant 0 : i32
    %dma_wait3A_28 = tpu.memref_slice %arg4[%dma_wait3A_26, %dma_wait3A_27] : memref<20736x1024xf32, #tpu.memory_space<hbm>> -> memref<20736x1024xf32, #tpu.memory_space<hbm>>
    tpu.wait_indirect_dma semaphore(%arg7 : memref<!tpu.dma_semaphore, #tpu.memory_space<semaphore_mem>>) src(%arg5 : memref<64x1024xf32, #tpu.memory_space<vmem>>) dst(%dma_wait3A_28 : memref<20736x1024xf32, #tpu.memory_space<hbm>>)
    return
  }
}

module attributes {stable_mosaic.version = 14 : i64} {
  func.func @_mm_body(%arg0: i32, %arg1: memref<80xi32, #tpu.memory_space<smem>>, %arg2: memref<1xi32, #tpu.memory_space<smem>>, %arg3: memref<256x1024xf32, #tpu.memory_space<vmem>>, %arg4: memref<1x512x1024xf32, #tpu.memory_space<vmem>>, %arg5: memref<1x512x1024xf32, #tpu.memory_space<vmem>>, %arg6: memref<1x1024x512xf32, #tpu.memory_space<vmem>>, %arg7: memref<256x1024xf32, #tpu.memory_space<vmem>>) attributes {dimension_semantics = [#tpu.dimension_semantics<arbitrary>], iteration_bounds = array<i64: 80>, scalar_prefetch = 2 : i64, scratch_operands = 0 : i64, tpu.core_type = #tpu.core_type<tc>, window_params = [{transform_indices = @transform_0, window_bounds = array<i64: 256, 1024>}, {transform_indices = @transform_1, window_bounds = array<i64: 1, 512, 1024>}, {transform_indices = @transform_2, window_bounds = array<i64: 1, 512, 1024>}, {transform_indices = @transform_3, window_bounds = array<i64: 1, 1024, 512>}, {transform_indices = @transform_4, window_bounds = array<i64: 256, 1024>}]} {
    %get3A = arith.constant 0 : index
    %get3A_0 = memref.load %arg2[%get3A] : memref<1xi32, #tpu.memory_space<smem>>
    %lt3A = arith.cmpi slt, %arg0, %get3A_0 : i32
    %convert_element_type3A = arith.extui %lt3A : i1 to i32
    %cond3A = arith.constant 0 : i32
    %cond3A_1 = arith.cmpi ne, %convert_element_type3A, %cond3A : i32
    scf.if %cond3A_1 {
      %get3A_2 = arith.constant 0 : index
      %get3A_3 = arith.constant 0 : index
      %get3A_4 = vector.load %arg3[%get3A_2, %get3A_3] : memref<256x1024xf32, #tpu.memory_space<vmem>>, vector<256x1024xf32>
      %get3A_5 = arith.constant 0 : index
      %get3A_6 = arith.constant 0 : index
      %get3A_7 = arith.constant 0 : index
      %get3A_8 = vector.load %arg4[%get3A_5, %get3A_6, %get3A_7] : memref<1x512x1024xf32, #tpu.memory_space<vmem>>, vector<1x512x1024xf32>
      %get3A_9 = vector.shape_cast %get3A_8 : vector<1x512x1024xf32> to vector<512x1024xf32>
      %dot_general3A = arith.constant dense<0.000000e+00> : vector<256x512xf32>
      %dot_general3A_10 = tpu.matmul %get3A_4, %get3A_9, %dot_general3A {dimension_numbers = #tpu.dot_dimension_numbers<[1], [1], [0], [0], [0, 0, 1, 0], [], []>, transpose_lhs_hint = false} : vector<256x1024xf32>, vector<512x1024xf32>, vector<256x512xf32> -> vector<256x512xf32>
      %get3A_11 = arith.constant 0 : index
      %get3A_12 = arith.constant 0 : index
      %get3A_13 = arith.constant 0 : index
      %get3A_14 = vector.load %arg5[%get3A_11, %get3A_12, %get3A_13] : memref<1x512x1024xf32, #tpu.memory_space<vmem>>, vector<1x512x1024xf32>
      %get3A_15 = vector.shape_cast %get3A_14 : vector<1x512x1024xf32> to vector<512x1024xf32>
      %dot_general3A_16 = arith.constant dense<0.000000e+00> : vector<256x512xf32>
      %dot_general3A_17 = tpu.matmul %get3A_4, %get3A_15, %dot_general3A_16 {dimension_numbers = #tpu.dot_dimension_numbers<[1], [1], [0], [0], [0, 0, 1, 0], [], []>, transpose_lhs_hint = false} : vector<256x1024xf32>, vector<512x1024xf32>, vector<256x512xf32> -> vector<256x512xf32>
      %logistic3A = arith.negf %dot_general3A_10 : vector<256x512xf32>
      %logistic3A_18 = math.exp %logistic3A : vector<256x512xf32>
      %logistic3A_19 = arith.constant 1.000000e+00 : f32
      %logistic3A_20 = vector.broadcast %logistic3A_19 : f32 to vector<256x512xf32>
      %logistic3A_21 = arith.addf %logistic3A_20, %logistic3A_18 : vector<256x512xf32>
      %logistic3A_22 = arith.divf %logistic3A_20, %logistic3A_21 : vector<256x512xf32>
      %mul3A = arith.mulf %dot_general3A_10, %logistic3A_22 : vector<256x512xf32>
      %mul3A_23 = arith.mulf %mul3A, %dot_general3A_17 : vector<256x512xf32>
      %get3A_24 = arith.constant 0 : index
      %get3A_25 = arith.constant 0 : index
      %get3A_26 = arith.constant 0 : index
      %get3A_27 = vector.load %arg6[%get3A_24, %get3A_25, %get3A_26] : memref<1x1024x512xf32, #tpu.memory_space<vmem>>, vector<1x1024x512xf32>
      %get3A_28 = vector.shape_cast %get3A_27 : vector<1x1024x512xf32> to vector<1024x512xf32>
      %dot_general3A_29 = arith.constant dense<0.000000e+00> : vector<256x1024xf32>
      %dot_general3A_30 = tpu.matmul %mul3A_23, %get3A_28, %dot_general3A_29 {dimension_numbers = #tpu.dot_dimension_numbers<[1], [1], [0], [0], [0, 0, 1, 0], [], []>, transpose_lhs_hint = false} : vector<256x512xf32>, vector<1024x512xf32>, vector<256x1024xf32> -> vector<256x1024xf32>
      %swap3A = arith.constant 0 : index
      %swap3A_31 = arith.constant 0 : index
      %swap3A_32 = vector.load %arg7[%swap3A, %swap3A_31] : memref<256x1024xf32, #tpu.memory_space<vmem>>, vector<256x1024xf32>
      tpu.vector_store %arg7[%swap3A, %swap3A_31], %dot_general3A_30 {strides = array<i32>} : memref<256x1024xf32, #tpu.memory_space<vmem>>, vector<256x1024xf32>,
    } else {
    }
    return
  }
  func.func @transform_0(%arg0: i32, %arg1: memref<80xi32, #tpu.memory_space<smem>>, %arg2: memref<1xi32, #tpu.memory_space<smem>>) -> (i32, i32) {
    %get3A = arith.constant 0 : index
    %get3A_0 = memref.load %arg2[%get3A] : memref<1xi32, #tpu.memory_space<smem>>
    %lt3A = arith.cmpi slt, %arg0, %get3A_0 : i32
    %jit3A = arith.constant 80 : i32
    %select_n3A = arith.select %lt3A, %arg0, %jit3A : i32
    %c0_i32 = arith.constant 0 : i32
    %c0_i32_1 = arith.constant 0 : i32
    return %select_n3A, %c0_i32 : i32, i32
  }
  func.func @transform_1(%arg0: i32, %arg1: memref<80xi32, #tpu.memory_space<smem>>, %arg2: memref<1xi32, #tpu.memory_space<smem>>) -> (i32, i32, i32) {
    %get3A = arith.index_cast %arg0 : i32 to index
    %get3A_0 = memref.load %arg1[%get3A] : memref<80xi32, #tpu.memory_space<smem>>
    %c0_i32 = arith.constant 0 : i32
    %c0_i32_1 = arith.constant 0 : i32
    %c0_i32_2 = arith.constant 0 : i32
    return %get3A_0, %c0_i32, %c0_i32_1 : i32, i32, i32
  }
  func.func @transform_2(%arg0: i32, %arg1: memref<80xi32, #tpu.memory_space<smem>>, %arg2: memref<1xi32, #tpu.memory_space<smem>>) -> (i32, i32, i32) {
    %get3A = arith.index_cast %arg0 : i32 to index
    %get3A_0 = memref.load %arg1[%get3A] : memref<80xi32, #tpu.memory_space<smem>>
    %c0_i32 = arith.constant 0 : i32
    %c0_i32_1 = arith.constant 0 : i32
    %c0_i32_2 = arith.constant 0 : i32
    return %get3A_0, %c0_i32, %c0_i32_1 : i32, i32, i32
  }
  func.func @transform_3(%arg0: i32, %arg1: memref<80xi32, #tpu.memory_space<smem>>, %arg2: memref<1xi32, #tpu.memory_space<smem>>) -> (i32, i32, i32) {
    %get3A = arith.index_cast %arg0 : i32 to index
    %get3A_0 = memref.load %arg1[%get3A] : memref<80xi32, #tpu.memory_space<smem>>
    %c0_i32 = arith.constant 0 : i32
    %c0_i32_1 = arith.constant 0 : i32
    %c0_i32_2 = arith.constant 0 : i32
    return %get3A_0, %c0_i32, %c0_i32_1 : i32, i32, i32
  }
  func.func @transform_4(%arg0: i32, %arg1: memref<80xi32, #tpu.memory_space<smem>>, %arg2: memref<1xi32, #tpu.memory_space<smem>>) -> (i32, i32) {
    %get3A = arith.constant 0 : index
    %get3A_0 = memref.load %arg2[%get3A] : memref<1xi32, #tpu.memory_space<smem>>
    %lt3A = arith.cmpi slt, %arg0, %get3A_0 : i32
    %jit3A = arith.constant 80 : i32
    %select_n3A = arith.select %lt3A, %arg0, %jit3A : i32
    %c0_i32 = arith.constant 0 : i32
    %c0_i32_1 = arith.constant 0 : i32
    return %select_n3A, %c0_i32 : i32, i32
  }
}

module attributes {stable_mosaic.version = 14 : i64} {
  func.func @_combine_body(%arg0: i32, %arg1: memref<256x1024xf32, #tpu.memory_space<vmem>>, %arg2: memref<1024x1024xf32, #tpu.memory_space<vmem>>, %arg3: memref<1024x1024xf32, #tpu.memory_space<vmem>>, %arg4: memref<1024x1024xf32, #tpu.memory_space<vmem>>, %arg5: memref<256x1024xf32, #tpu.memory_space<vmem>>, %arg6: memref<256x1024xf32, #tpu.memory_space<vmem>>, %arg7: memref<256x2xf32, #tpu.memory_space<vmem>>, %arg8: memref<256x1024xf32, #tpu.memory_space<vmem>>) attributes {dimension_semantics = [#tpu.dimension_semantics<arbitrary>], iteration_bounds = array<i64: 8>, scalar_prefetch = 0 : i64, scratch_operands = 0 : i64, tpu.core_type = #tpu.core_type<tc>, window_params = [{transform_indices = @transform_0, window_bounds = array<i64: 256, 1024>}, {pipeline_mode = #tpu.pipeline_mode<synchronous>, transform_indices = @transform_1, window_bounds = array<i64: 1024, 1024>}, {pipeline_mode = #tpu.pipeline_mode<synchronous>, transform_indices = @transform_2, window_bounds = array<i64: 1024, 1024>}, {pipeline_mode = #tpu.pipeline_mode<synchronous>, transform_indices = @transform_3, window_bounds = array<i64: 1024, 1024>}, {transform_indices = @transform_4, window_bounds = array<i64: 256, 1024>}, {transform_indices = @transform_5, window_bounds = array<i64: 256, 1024>}, {transform_indices = @transform_6, window_bounds = array<i64: 256, 2>}, {transform_indices = @transform_7, window_bounds = array<i64: 256, 1024>}]} {
    %get3A = arith.constant 0 : index
    %get3A_0 = arith.constant 0 : index
    %get3A_1 = vector.load %arg1[%get3A, %get3A_0] : memref<256x1024xf32, #tpu.memory_space<vmem>>, vector<256x1024xf32>
    %get3A_2 = arith.constant 0 : index
    %get3A_3 = arith.constant 0 : index
    %get3A_4 = vector.load %arg2[%get3A_2, %get3A_3] : memref<1024x1024xf32, #tpu.memory_space<vmem>>, vector<1024x1024xf32>
    %dot_general3A = arith.constant dense<0.000000e+00> : vector<256x1024xf32>
    %dot_general3A_5 = tpu.matmul %get3A_1, %get3A_4, %dot_general3A {dimension_numbers = #tpu.dot_dimension_numbers<[1], [1], [0], [0], [0, 0, 1, 0], [], []>, transpose_lhs_hint = false} : vector<256x1024xf32>, vector<1024x1024xf32>, vector<256x1024xf32> -> vector<256x1024xf32>
    %get3A_6 = arith.constant 0 : index
    %get3A_7 = arith.constant 0 : index
    %get3A_8 = vector.load %arg3[%get3A_6, %get3A_7] : memref<1024x1024xf32, #tpu.memory_space<vmem>>, vector<1024x1024xf32>
    %dot_general3A_9 = arith.constant dense<0.000000e+00> : vector<256x1024xf32>
    %dot_general3A_10 = tpu.matmul %get3A_1, %get3A_8, %dot_general3A_9 {dimension_numbers = #tpu.dot_dimension_numbers<[1], [1], [0], [0], [0, 0, 1, 0], [], []>, transpose_lhs_hint = false} : vector<256x1024xf32>, vector<1024x1024xf32>, vector<256x1024xf32> -> vector<256x1024xf32>
    %logistic3A = arith.negf %dot_general3A_5 : vector<256x1024xf32>
    %logistic3A_11 = math.exp %logistic3A : vector<256x1024xf32>
    %logistic3A_12 = arith.constant 1.000000e+00 : f32
    %logistic3A_13 = vector.broadcast %logistic3A_12 : f32 to vector<256x1024xf32>
    %logistic3A_14 = arith.addf %logistic3A_13, %logistic3A_11 : vector<256x1024xf32>
    %logistic3A_15 = arith.divf %logistic3A_13, %logistic3A_14 : vector<256x1024xf32>
    %mul3A = arith.mulf %dot_general3A_5, %logistic3A_15 : vector<256x1024xf32>
    %mul3A_16 = arith.mulf %mul3A, %dot_general3A_10 : vector<256x1024xf32>
    %get3A_17 = arith.constant 0 : index
    %get3A_18 = arith.constant 0 : index
    %get3A_19 = vector.load %arg4[%get3A_17, %get3A_18] : memref<1024x1024xf32, #tpu.memory_space<vmem>>, vector<1024x1024xf32>
    %dot_general3A_20 = arith.constant dense<0.000000e+00> : vector<256x1024xf32>
    %dot_general3A_21 = tpu.matmul %mul3A_16, %get3A_19, %dot_general3A_20 {dimension_numbers = #tpu.dot_dimension_numbers<[1], [1], [0], [0], [0, 0, 1, 0], [], []>, transpose_lhs_hint = false} : vector<256x1024xf32>, vector<1024x1024xf32>, vector<256x1024xf32> -> vector<256x1024xf32>
    %get3A_22 = arith.constant 0 : index
    %get3A_23 = arith.constant 0 : index
    %get3A_24 = vector.load %arg7[%get3A_22, %get3A_23] : memref<256x2xf32, #tpu.memory_space<vmem>>, vector<256x1xf32>
    %get3A_25 = arith.constant 0 : index
    %get3A_26 = arith.constant 1 : index
    %get3A_27 = vector.load %arg7[%get3A_25, %get3A_26] : memref<256x2xf32, #tpu.memory_space<vmem>>, vector<256x1xf32>
    %get3A_28 = arith.constant 0 : index
    %get3A_29 = arith.constant 0 : index
    %get3A_30 = vector.load %arg5[%get3A_28, %get3A_29] : memref<256x1024xf32, #tpu.memory_space<vmem>>, vector<256x1024xf32>
    %mul3A_31 = vector.broadcast %get3A_24 : vector<256x1xf32> to vector<256x1024xf32>
    %mul3A_32 = arith.mulf %mul3A_31, %get3A_30 : vector<256x1024xf32>
    %add3A = arith.addf %dot_general3A_21, %mul3A_32 : vector<256x1024xf32>
    %get3A_33 = arith.constant 0 : index
    %get3A_34 = arith.constant 0 : index
    %get3A_35 = vector.load %arg6[%get3A_33, %get3A_34] : memref<256x1024xf32, #tpu.memory_space<vmem>>, vector<256x1024xf32>
    %mul3A_36 = vector.broadcast %get3A_27 : vector<256x1xf32> to vector<256x1024xf32>
    %mul3A_37 = arith.mulf %mul3A_36, %get3A_35 : vector<256x1024xf32>
    %add3A_38 = arith.addf %add3A, %mul3A_37 : vector<256x1024xf32>
    %swap3A = arith.constant 0 : index
    %swap3A_39 = arith.constant 0 : index
    %swap3A_40 = vector.load %arg8[%swap3A, %swap3A_39] : memref<256x1024xf32, #tpu.memory_space<vmem>>, vector<256x1024xf32>
    tpu.vector_store %arg8[%swap3A, %swap3A_39], %add3A_38 {strides = array<i32>} : memref<256x1024xf32, #tpu.memory_space<vmem>>, vector<256x1024xf32>,
    return
  }
  func.func @transform_0(%arg0: i32) -> (i32, i32) {
    %c0_i32 = arith.constant 0 : i32
    %c0_i32_0 = arith.constant 0 : i32
    return %arg0, %c0_i32 : i32, i32
  }
  func.func @transform_1(%arg0: i32) -> (i32, i32) {
    %c0_i32 = arith.constant 0 : i32
    %c0_i32_0 = arith.constant 0 : i32
    %c0_i32_1 = arith.constant 0 : i32
    return %c0_i32, %c0_i32_0 : i32, i32
  }
  func.func @transform_2(%arg0: i32) -> (i32, i32) {
    %c0_i32 = arith.constant 0 : i32
    %c0_i32_0 = arith.constant 0 : i32
    %c0_i32_1 = arith.constant 0 : i32
    return %c0_i32, %c0_i32_0 : i32, i32
  }
  func.func @transform_3(%arg0: i32) -> (i32, i32) {
    %c0_i32 = arith.constant 0 : i32
    %c0_i32_0 = arith.constant 0 : i32
    %c0_i32_1 = arith.constant 0 : i32
    return %c0_i32, %c0_i32_0 : i32, i32
  }
  func.func @transform_4(%arg0: i32) -> (i32, i32) {
    %c0_i32 = arith.constant 0 : i32
    %c0_i32_0 = arith.constant 0 : i32
    return %arg0, %c0_i32 : i32, i32
  }
  func.func @transform_5(%arg0: i32) -> (i32, i32) {
    %c0_i32 = arith.constant 0 : i32
    %c0_i32_0 = arith.constant 0 : i32
    return %arg0, %c0_i32 : i32, i32
  }
  func.func @transform_6(%arg0: i32) -> (i32, i32) {
    %c0_i32 = arith.constant 0 : i32
    %c0_i32_0 = arith.constant 0 : i32
    return %arg0, %c0_i32 : i32, i32
  }
  func.func @transform_7(%arg0: i32) -> (i32, i32) {
    %c0_i32 = arith.constant 0 : i32
    %c0_i32_0 = arith.constant 0 : i32
    return %arg0, %c0_i32 : i32, i32
  }
}

module attributes {stable_mosaic.version = 14 : i64} {
  func.func @_router_body(%arg0: memref<2048x1024xf32, #tpu.memory_space<vmem>>, %arg1: memref<64x1024xf32, #tpu.memory_space<vmem>>, %arg2: memref<1x64xf32, #tpu.memory_space<vmem>>, %arg3: memref<2048x2xf32, #tpu.memory_space<vmem>>, %arg4: memref<2048x2xi32, #tpu.memory_space<vmem>>, %arg5: memref<2048x2xi32, #tpu.memory_space<vmem>>, %arg6: memref<1x80xi32, #tpu.memory_space<vmem>>, %arg7: memref<1x1xi32, #tpu.memory_space<vmem>>, %arg8: memref<2048x64xf32, #tpu.memory_space<vmem>>, %arg9: memref<2048x64xf32, #tpu.memory_space<vmem>>) attributes {dimension_semantics = [], scalar_prefetch = 0 : i64, scratch_operands = 2 : i64, tpu.core_type = #tpu.core_type<tc>} {
    %get3A = arith.constant 0 : index
    %get3A_0 = arith.constant 0 : index
    %get3A_1 = vector.load %arg0[%get3A, %get3A_0] : memref<2048x1024xf32, #tpu.memory_space<vmem>>, vector<2048x1024xf32>
    %get3A_2 = arith.constant 0 : index
    %get3A_3 = arith.constant 0 : index
    %get3A_4 = vector.load %arg1[%get3A_2, %get3A_3] : memref<64x1024xf32, #tpu.memory_space<vmem>>, vector<64x1024xf32>
    %dot_general3A = arith.constant dense<0.000000e+00> : vector<2048x64xf32>
    %dot_general3A_5 = tpu.matmul %get3A_1, %get3A_4, %dot_general3A {dimension_numbers = #tpu.dot_dimension_numbers<[1], [1], [0], [0], [0, 0, 1, 0], [], []>, transpose_lhs_hint = false} : vector<2048x1024xf32>, vector<64x1024xf32>, vector<2048x64xf32> -> vector<2048x64xf32>
    %logistic3A = arith.negf %dot_general3A_5 : vector<2048x64xf32>
    %logistic3A_6 = math.exp %logistic3A : vector<2048x64xf32>
    %logistic3A_7 = arith.constant 1.000000e+00 : f32
    %logistic3A_8 = vector.broadcast %logistic3A_7 : f32 to vector<2048x64xf32>
    %logistic3A_9 = arith.addf %logistic3A_8, %logistic3A_6 : vector<2048x64xf32>
    %logistic3A_10 = arith.divf %logistic3A_8, %logistic3A_9 : vector<2048x64xf32>
    %get3A_11 = arith.constant 0 : index
    %get3A_12 = arith.constant 0 : index
    %get3A_13 = vector.load %arg2[%get3A_11, %get3A_12] : memref<1x64xf32, #tpu.memory_space<vmem>>, vector<1x64xf32>
    %add3A = vector.broadcast %get3A_13 : vector<1x64xf32> to vector<2048x64xf32>
    %add3A_14 = arith.addf %logistic3A_10, %add3A : vector<2048x64xf32>
    %iota3A = tpu.iota {dimensions = array<i32: 1>} : vector<2048x64xi32>
    %reduce_max3A = arith.constant dense<0xFF800000> : vector<2048xf32>
    %reduce_max3A_15 = vector.multi_reduction <maximumf>, %add3A_14, %reduce_max3A [1] : vector<2048x64xf32> to vector<2048xf32>
    %broadcast_in_dim3A = vector.shape_cast %reduce_max3A_15 : vector<2048xf32> to vector<2048x1xf32>
    %eq3A = vector.broadcast %broadcast_in_dim3A : vector<2048x1xf32> to vector<2048x64xf32>
    %eq3A_16 = arith.cmpf oeq, %add3A_14, %eq3A : vector<2048x64xf32>
    %jit3A = arith.constant 64 : i32
    %broadcast_in_dim3A_17 = vector.broadcast %jit3A : i32 to vector<2048x64xi32>
    %select_n3A = arith.select %eq3A_16, %iota3A, %broadcast_in_dim3A_17 : vector<2048x64xi1>, vector<2048x64xi32>
    %reduce_min3A = arith.constant dense<2147483647> : vector<2048xi32>
    %reduce_min3A_18 = vector.multi_reduction <minsi>, %select_n3A, %reduce_min3A [1] : vector<2048x64xi32> to vector<2048xi32>
    %broadcast_in_dim3A_19 = vector.shape_cast %reduce_min3A_18 : vector<2048xi32> to vector<2048x1xi32>
    %eq3A_20 = vector.broadcast %broadcast_in_dim3A_19 : vector<2048x1xi32> to vector<2048x64xi32>
    %eq3A_21 = arith.cmpi eq, %iota3A, %eq3A_20 : vector<2048x64xi32>
    %jit3A_22 = arith.constant 0xFF800000 : f32
    %broadcast_in_dim3A_23 = vector.broadcast %jit3A_22 : f32 to vector<2048x64xf32>
    %select_n3A_24 = arith.select %eq3A_21, %broadcast_in_dim3A_23, %add3A_14 : vector<2048x64xi1>, vector<2048x64xf32>
    %reduce_max3A_25 = arith.constant dense<0xFF800000> : vector<2048xf32>
    %reduce_max3A_26 = vector.multi_reduction <maximumf>, %select_n3A_24, %reduce_max3A_25 [1] : vector<2048x64xf32> to vector<2048xf32>
    %broadcast_in_dim3A_27 = vector.shape_cast %reduce_max3A_26 : vector<2048xf32> to vector<2048x1xf32>
    %eq3A_28 = vector.broadcast %broadcast_in_dim3A_27 : vector<2048x1xf32> to vector<2048x64xf32>
    %eq3A_29 = arith.cmpf oeq, %select_n3A_24, %eq3A_28 : vector<2048x64xf32>
    %jit3A_30 = arith.constant 64 : i32
    %broadcast_in_dim3A_31 = vector.broadcast %jit3A_30 : i32 to vector<2048x64xi32>
    %select_n3A_32 = arith.select %eq3A_29, %iota3A, %broadcast_in_dim3A_31 : vector<2048x64xi1>, vector<2048x64xi32>
    %reduce_min3A_33 = arith.constant dense<2147483647> : vector<2048xi32>
    %reduce_min3A_34 = vector.multi_reduction <minsi>, %select_n3A_32, %reduce_min3A_33 [1] : vector<2048x64xi32> to vector<2048xi32>
    %broadcast_in_dim3A_35 = vector.shape_cast %reduce_min3A_34 : vector<2048xi32> to vector<2048x1xi32>
    %eq3A_36 = vector.broadcast %broadcast_in_dim3A_19 : vector<2048x1xi32> to vector<2048x64xi32>
    %eq3A_37 = arith.cmpi eq, %iota3A, %eq3A_36 : vector<2048x64xi32>
    %eq3A_38 = vector.broadcast %broadcast_in_dim3A_35 : vector<2048x1xi32> to vector<2048x64xi32>
    %eq3A_39 = arith.cmpi eq, %iota3A, %eq3A_38 : vector<2048x64xi32>
    %jit3A_40 = arith.constant 0.000000e+00 : f32
    %broadcast_in_dim3A_41 = vector.broadcast %jit3A_40 : f32 to vector<2048x64xf32>
    %select_n3A_42 = arith.select %eq3A_37, %logistic3A_10, %broadcast_in_dim3A_41 : vector<2048x64xi1>, vector<2048x64xf32>
    %reduce_sum3A = arith.constant dense<0.000000e+00> : vector<2048xf32>
    %reduce_sum3A_43 = vector.multi_reduction <add>, %select_n3A_42, %reduce_sum3A [1] : vector<2048x64xf32> to vector<2048xf32>
    %broadcast_in_dim3A_44 = vector.shape_cast %reduce_sum3A_43 : vector<2048xf32> to vector<2048x1xf32>
    %jit3A_45 = arith.constant 0.000000e+00 : f32
    %broadcast_in_dim3A_46 = vector.broadcast %jit3A_45 : f32 to vector<2048x64xf32>
    %select_n3A_47 = arith.select %eq3A_39, %logistic3A_10, %broadcast_in_dim3A_46 : vector<2048x64xi1>, vector<2048x64xf32>
    %reduce_sum3A_48 = arith.constant dense<0.000000e+00> : vector<2048xf32>
    %reduce_sum3A_49 = vector.multi_reduction <add>, %select_n3A_47, %reduce_sum3A_48 [1] : vector<2048x64xf32> to vector<2048xf32>
    %broadcast_in_dim3A_50 = vector.shape_cast %reduce_sum3A_49 : vector<2048xf32> to vector<2048x1xf32>
    %add3A_51 = arith.addf %broadcast_in_dim3A_44, %broadcast_in_dim3A_50 : vector<2048x1xf32>
    %add3A_52 = arith.constant 9.99999968E-21 : f32
    %add3A_53 = vector.broadcast %add3A_52 : f32 to vector<2048x1xf32>
    %add3A_54 = arith.addf %add3A_51, %add3A_53 : vector<2048x1xf32>
    %div3A = arith.constant 2.500000e+00 : f32
    %div3A_55 = vector.broadcast %div3A : f32 to vector<2048x1xf32>
    %div3A_56 = arith.divf %div3A_55, %add3A_54 : vector<2048x1xf32>
    %convert_element_type3A = arith.extui %eq3A_37 : vector<2048x64xi1> to vector<2048x64xi32>
    %convert_element_type3A_57 = arith.sitofp %convert_element_type3A : vector<2048x64xi32> to vector<2048x64xf32>
    %convert_element_type3A_58 = arith.extui %eq3A_39 : vector<2048x64xi1> to vector<2048x64xi32>
    %convert_element_type3A_59 = arith.sitofp %convert_element_type3A_58 : vector<2048x64xi32> to vector<2048x64xf32>
    %add3A_60 = arith.addf %convert_element_type3A_57, %convert_element_type3A_59 : vector<2048x64xf32>
    %swap3A = arith.constant 0 : index
    %swap3A_61 = arith.constant 0 : index
    %swap3A_62 = vector.load %arg8[%swap3A, %swap3A_61] : memref<2048x64xf32, #tpu.memory_space<vmem>>, vector<2048x64xf32>
    tpu.vector_store %arg8[%swap3A, %swap3A_61], %add3A_60 {strides = array<i32>} : memref<2048x64xf32, #tpu.memory_space<vmem>>, vector<2048x64xf32>,
    %iota3A_63 = tpu.iota {dimensions = array<i32: 0>} : vector<256x256xi32>
    %iota3A_64 = tpu.iota {dimensions = array<i32: 1>} : vector<256x256xi32>
    %gt3A = arith.cmpi sgt, %iota3A_63, %iota3A_64 : vector<256x256xi32>
    %convert_element_type3A_65 = arith.extui %gt3A : vector<256x256xi1> to vector<256x256xi32>
    %convert_element_type3A_66 = arith.sitofp %convert_element_type3A_65 : vector<256x256xi32> to vector<256x256xf32>
    %broadcast_in_dim3A_67 = arith.constant 0.000000e+00 : f32
    %broadcast_in_dim3A_68 = vector.broadcast %broadcast_in_dim3A_67 : f32 to vector<1x64xf32>
    %scan3A = arith.constant 0 : i32
    %scan3A_69 = arith.constant 8 : i32
    %scan3A_70 = arith.addi %scan3A, %scan3A_69 : i32
    %scan3A_71 = arith.constant 1 : i32
    %scan3A_72 = scf.for %scan3A_229 = %scan3A to %scan3A_70 step %scan3A_71 iter_args(%scan3A_230 = %broadcast_in_dim3A_68) -> (vector<1x64xf32>)  : i32 {
      %mul3A_231 = arith.constant 256 : i32
      %mul3A_232 = arith.muli %scan3A_229, %mul3A_231 : i32
      %get3A_233 = arith.index_cast %mul3A_232 : i32 to index
      %get3A_234 = arith.constant 0 : index
      %get3A_235 = vector.load %arg8[%get3A_233, %get3A_234] : memref<2048x64xf32, #tpu.memory_space<vmem>>, vector<256x64xf32>
      %dot_general3A_236 = arith.constant dense<0.000000e+00> : vector<256x64xf32>
      %dot_general3A_237 = tpu.matmul %convert_element_type3A_66, %get3A_235, %dot_general3A_236 {dimension_numbers = #tpu.dot_dimension_numbers<[1], [0], [0], [1], [0, 0, 1, 1], [], []>, transpose_lhs_hint = false} : vector<256x256xf32>, vector<256x64xf32>, vector<256x64xf32> -> vector<256x64xf32>
      %add3A_238 = vector.broadcast %scan3A_230 : vector<1x64xf32> to vector<256x64xf32>
      %add3A_239 = arith.addf %add3A_238, %dot_general3A_237 : vector<256x64xf32>
      %mul3A_240 = arith.constant 256 : i32
      %mul3A_241 = arith.muli %scan3A_229, %mul3A_240 : i32
      %swap3A_242 = arith.index_cast %mul3A_241 : i32 to index
      %swap3A_243 = arith.constant 0 : index
      %swap3A_244 = vector.load %arg9[%swap3A_242, %swap3A_243] : memref<2048x64xf32, #tpu.memory_space<vmem>>, vector<256x64xf32>
      tpu.vector_store %arg9[%swap3A_242, %swap3A_243], %add3A_239 {strides = array<i32>} : memref<2048x64xf32, #tpu.memory_space<vmem>>, vector<256x64xf32>,
      %reduce_sum3A_245 = arith.constant dense<0.000000e+00> : vector<64xf32>
      %reduce_sum3A_246 = vector.multi_reduction <add>, %get3A_235, %reduce_sum3A_245 [0] : vector<256x64xf32> to vector<64xf32>
      %broadcast_in_dim3A_247 = vector.shape_cast %reduce_sum3A_246 : vector<64xf32> to vector<1x64xf32>
      %add3A_248 = arith.addf %scan3A_230, %broadcast_in_dim3A_247 : vector<1x64xf32>
      scf.yield %add3A_248 : vector<1x64xf32>
    }
    %scan3A_73 = arith.constant 8 : i32
    %get3A_74 = arith.constant 0 : index
    %get3A_75 = arith.constant 0 : index
    %get3A_76 = vector.load %arg9[%get3A_74, %get3A_75] : memref<2048x64xf32, #tpu.memory_space<vmem>>, vector<2048x64xf32>
    %jit3A_77 = arith.constant 0.000000e+00 : f32
    %broadcast_in_dim3A_78 = vector.broadcast %jit3A_77 : f32 to vector<2048x64xf32>
    %select_n3A_79 = arith.select %eq3A_37, %get3A_76, %broadcast_in_dim3A_78 : vector<2048x64xi1>, vector<2048x64xf32>
    %reduce_sum3A_80 = arith.constant dense<0.000000e+00> : vector<2048xf32>
    %reduce_sum3A_81 = vector.multi_reduction <add>, %select_n3A_79, %reduce_sum3A_80 [1] : vector<2048x64xf32> to vector<2048xf32>
    %broadcast_in_dim3A_82 = vector.shape_cast %reduce_sum3A_81 : vector<2048xf32> to vector<2048x1xf32>
    %jit3A_83 = arith.constant 0.000000e+00 : f32
    %broadcast_in_dim3A_84 = vector.broadcast %jit3A_83 : f32 to vector<2048x64xf32>
    %select_n3A_85 = arith.select %eq3A_39, %get3A_76, %broadcast_in_dim3A_84 : vector<2048x64xi1>, vector<2048x64xf32>
    %reduce_sum3A_86 = arith.constant dense<0.000000e+00> : vector<2048xf32>
    %reduce_sum3A_87 = vector.multi_reduction <add>, %select_n3A_85, %reduce_sum3A_86 [1] : vector<2048x64xf32> to vector<2048xf32>
    %broadcast_in_dim3A_88 = vector.shape_cast %reduce_sum3A_87 : vector<2048xf32> to vector<2048x1xf32>
    %lt3A = arith.constant 2.560000e+02 : f32
    %lt3A_89 = vector.broadcast %lt3A : f32 to vector<2048x1xf32>
    %lt3A_90 = arith.cmpf olt, %broadcast_in_dim3A_82, %lt3A_89 : vector<2048x1xf32>
    %lt3A_91 = arith.constant 2.560000e+02 : f32
    %lt3A_92 = vector.broadcast %lt3A_91 : f32 to vector<2048x1xf32>
    %lt3A_93 = arith.cmpf olt, %broadcast_in_dim3A_88, %lt3A_92 : vector<2048x1xf32>
    %min3A = arith.constant 2.560000e+02 : f32
    %min3A_94 = vector.broadcast %min3A : f32 to vector<1x64xf32>
    %min3A_95 = arith.minimumf %scan3A_72, %min3A_94 : vector<1x64xf32>
    %add3A_96 = arith.constant 2.550000e+02 : f32
    %add3A_97 = vector.broadcast %add3A_96 : f32 to vector<1x64xf32>
    %add3A_98 = arith.addf %min3A_95, %add3A_97 : vector<1x64xf32>
    %mul3A = arith.constant 3.906250e-03 : f32
    %mul3A_99 = vector.broadcast %mul3A : f32 to vector<1x64xf32>
    %mul3A_100 = arith.mulf %add3A_98, %mul3A_99 : vector<1x64xf32>
    %floor3A = math.floor %mul3A_100 : vector<1x64xf32>
    %iota3A_101 = tpu.iota {dimensions = array<i32: 0>} : vector<64x64xi32>
    %iota3A_102 = tpu.iota {dimensions = array<i32: 1>} : vector<64x64xi32>
    %lt3A_103 = arith.cmpi slt, %iota3A_101, %iota3A_102 : vector<64x64xi32>
    %convert_element_type3A_104 = arith.extui %lt3A_103 : vector<64x64xi1> to vector<64x64xi32>
    %convert_element_type3A_105 = arith.sitofp %convert_element_type3A_104 : vector<64x64xi32> to vector<64x64xf32>
    %dot_general3A_106 = arith.constant dense<0.000000e+00> : vector<1x64xf32>
    %dot_general3A_107 = tpu.matmul %floor3A, %convert_element_type3A_105, %dot_general3A_106 {dimension_numbers = #tpu.dot_dimension_numbers<[1], [0], [0], [1], [0, 0, 1, 1], [], []>, transpose_lhs_hint = false} : vector<1x64xf32>, vector<64x64xf32>, vector<1x64xf32> -> vector<1x64xf32>
    %reduce_sum3A_108 = vector.shape_cast %floor3A : vector<1x64xf32> to vector<1x1x64xf32>
    %reduce_sum3A_109 = arith.constant dense<0.000000e+00> : vector<1xf32>
    %reduce_sum3A_110 = vector.multi_reduction <add>, %reduce_sum3A_108, %reduce_sum3A_109 [1, 2] : vector<1x1x64xf32> to vector<1xf32>
    %reduce_sum3A_111 = vector.shape_cast %reduce_sum3A_110 : vector<1xf32> to vector<1x1x1xf32>
    %reduce_sum3A_112 = vector.extract %reduce_sum3A_111[0, 0, 0] : f32 from vector<1x1x1xf32>
    %jit3A_113 = arith.constant 0.000000e+00 : f32
    %broadcast_in_dim3A_114 = vector.shape_cast %dot_general3A_107 : vector<1x64xf32> to vector<1x64xf32>
    %broadcast_in_dim3A_115 = vector.broadcast %broadcast_in_dim3A_114 : vector<1x64xf32> to vector<2048x64xf32>
    %broadcast_in_dim3A_116 = vector.broadcast %jit3A_113 : f32 to vector<2048x64xf32>
    %select_n3A_117 = arith.select %eq3A_37, %broadcast_in_dim3A_115, %broadcast_in_dim3A_116 : vector<2048x64xi1>, vector<2048x64xf32>
    %reduce_sum3A_118 = arith.constant dense<0.000000e+00> : vector<2048xf32>
    %reduce_sum3A_119 = vector.multi_reduction <add>, %select_n3A_117, %reduce_sum3A_118 [1] : vector<2048x64xf32> to vector<2048xf32>
    %broadcast_in_dim3A_120 = vector.shape_cast %reduce_sum3A_119 : vector<2048xf32> to vector<2048x1xf32>
    %mul3A_121 = arith.constant 2.560000e+02 : f32
    %mul3A_122 = vector.broadcast %mul3A_121 : f32 to vector<2048x1xf32>
    %mul3A_123 = arith.mulf %broadcast_in_dim3A_120, %mul3A_122 : vector<2048x1xf32>
    %add3A_124 = arith.addf %mul3A_123, %broadcast_in_dim3A_82 : vector<2048x1xf32>
    %jit3A_125 = arith.constant 0.000000e+00 : f32
    %broadcast_in_dim3A_126 = vector.shape_cast %dot_general3A_107 : vector<1x64xf32> to vector<1x64xf32>
    %broadcast_in_dim3A_127 = vector.broadcast %broadcast_in_dim3A_126 : vector<1x64xf32> to vector<2048x64xf32>
    %broadcast_in_dim3A_128 = vector.broadcast %jit3A_125 : f32 to vector<2048x64xf32>
    %select_n3A_129 = arith.select %eq3A_39, %broadcast_in_dim3A_127, %broadcast_in_dim3A_128 : vector<2048x64xi1>, vector<2048x64xf32>
    %reduce_sum3A_130 = arith.constant dense<0.000000e+00> : vector<2048xf32>
    %reduce_sum3A_131 = vector.multi_reduction <add>, %select_n3A_129, %reduce_sum3A_130 [1] : vector<2048x64xf32> to vector<2048xf32>
    %broadcast_in_dim3A_132 = vector.shape_cast %reduce_sum3A_131 : vector<2048xf32> to vector<2048x1xf32>
    %mul3A_133 = arith.constant 2.560000e+02 : f32
    %mul3A_134 = vector.broadcast %mul3A_133 : f32 to vector<2048x1xf32>
    %mul3A_135 = arith.mulf %broadcast_in_dim3A_132, %mul3A_134 : vector<2048x1xf32>
    %add3A_136 = arith.addf %mul3A_135, %broadcast_in_dim3A_88 : vector<2048x1xf32>
    %jit3A_137 = arith.constant 2.048000e+04 : f32
    %broadcast_in_dim3A_138 = vector.broadcast %jit3A_137 : f32 to vector<2048x1xf32>
    %select_n3A_139 = arith.select %lt3A_90, %add3A_124, %broadcast_in_dim3A_138 : vector<2048x1xi1>, vector<2048x1xf32>
    %convert_element_type3A_140 = arith.fptosi %select_n3A_139 : vector<2048x1xf32> to vector<2048x1xi32>
    %swap3A_141 = arith.constant 0 : index
    %swap3A_142 = arith.constant 0 : index
    %swap3A_143 = vector.load %arg4[%swap3A_141, %swap3A_142] : memref<2048x2xi32, #tpu.memory_space<vmem>>, vector<2048x1xi32>
    tpu.vector_store %arg4[%swap3A_141, %swap3A_142], %convert_element_type3A_140 {strides = array<i32>} : memref<2048x2xi32, #tpu.memory_space<vmem>>, vector<2048x1xi32>,
    %jit3A_144 = arith.constant 2.048000e+04 : f32
    %broadcast_in_dim3A_145 = vector.broadcast %jit3A_144 : f32 to vector<2048x1xf32>
    %select_n3A_146 = arith.select %lt3A_93, %add3A_136, %broadcast_in_dim3A_145 : vector<2048x1xi1>, vector<2048x1xf32>
    %convert_element_type3A_147 = arith.fptosi %select_n3A_146 : vector<2048x1xf32> to vector<2048x1xi32>
    %swap3A_148 = arith.constant 0 : index
    %swap3A_149 = arith.constant 1 : index
    %swap3A_150 = vector.load %arg4[%swap3A_148, %swap3A_149] : memref<2048x2xi32, #tpu.memory_space<vmem>>, vector<2048x1xi32>
    tpu.vector_store %arg4[%swap3A_148, %swap3A_149], %convert_element_type3A_147 {strides = array<i32>} : memref<2048x2xi32, #tpu.memory_space<vmem>>, vector<2048x1xi32>,
    %jit3A_151 = arith.constant 0.000000e+00 : f32
    %broadcast_in_dim3A_152 = vector.broadcast %jit3A_151 : f32 to vector<2048x1xf32>
    %select_n3A_153 = arith.select %lt3A_90, %add3A_124, %broadcast_in_dim3A_152 : vector<2048x1xi1>, vector<2048x1xf32>
    %convert_element_type3A_154 = arith.fptosi %select_n3A_153 : vector<2048x1xf32> to vector<2048x1xi32>
    %swap3A_155 = arith.constant 0 : index
    %swap3A_156 = arith.constant 0 : index
    %swap3A_157 = vector.load %arg5[%swap3A_155, %swap3A_156] : memref<2048x2xi32, #tpu.memory_space<vmem>>, vector<2048x1xi32>
    tpu.vector_store %arg5[%swap3A_155, %swap3A_156], %convert_element_type3A_154 {strides = array<i32>} : memref<2048x2xi32, #tpu.memory_space<vmem>>, vector<2048x1xi32>,
    %jit3A_158 = arith.constant 0.000000e+00 : f32
    %broadcast_in_dim3A_159 = vector.broadcast %jit3A_158 : f32 to vector<2048x1xf32>
    %select_n3A_160 = arith.select %lt3A_93, %add3A_136, %broadcast_in_dim3A_159 : vector<2048x1xi1>, vector<2048x1xf32>
    %convert_element_type3A_161 = arith.fptosi %select_n3A_160 : vector<2048x1xf32> to vector<2048x1xi32>
    %swap3A_162 = arith.constant 0 : index
    %swap3A_163 = arith.constant 1 : index
    %swap3A_164 = vector.load %arg5[%swap3A_162, %swap3A_163] : memref<2048x2xi32, #tpu.memory_space<vmem>>, vector<2048x1xi32>
    tpu.vector_store %arg5[%swap3A_162, %swap3A_163], %convert_element_type3A_161 {strides = array<i32>} : memref<2048x2xi32, #tpu.memory_space<vmem>>, vector<2048x1xi32>,
    %mul3A_165 = arith.mulf %broadcast_in_dim3A_44, %div3A_56 : vector<2048x1xf32>
    %jit3A_166 = arith.constant 0.000000e+00 : f32
    %broadcast_in_dim3A_167 = vector.broadcast %jit3A_166 : f32 to vector<2048x1xf32>
    %select_n3A_168 = arith.select %lt3A_90, %mul3A_165, %broadcast_in_dim3A_167 : vector<2048x1xi1>, vector<2048x1xf32>
    %swap3A_169 = arith.constant 0 : index
    %swap3A_170 = arith.constant 0 : index
    %swap3A_171 = vector.load %arg3[%swap3A_169, %swap3A_170] : memref<2048x2xf32, #tpu.memory_space<vmem>>, vector<2048x1xf32>
    tpu.vector_store %arg3[%swap3A_169, %swap3A_170], %select_n3A_168 {strides = array<i32>} : memref<2048x2xf32, #tpu.memory_space<vmem>>, vector<2048x1xf32>,
    %mul3A_172 = arith.mulf %broadcast_in_dim3A_50, %div3A_56 : vector<2048x1xf32>
    %jit3A_173 = arith.constant 0.000000e+00 : f32
    %broadcast_in_dim3A_174 = vector.broadcast %jit3A_173 : f32 to vector<2048x1xf32>
    %select_n3A_175 = arith.select %lt3A_93, %mul3A_172, %broadcast_in_dim3A_174 : vector<2048x1xi1>, vector<2048x1xf32>
    %swap3A_176 = arith.constant 0 : index
    %swap3A_177 = arith.constant 1 : index
    %swap3A_178 = vector.load %arg3[%swap3A_176, %swap3A_177] : memref<2048x2xf32, #tpu.memory_space<vmem>>, vector<2048x1xf32>
    tpu.vector_store %arg3[%swap3A_176, %swap3A_177], %select_n3A_175 {strides = array<i32>} : memref<2048x2xf32, #tpu.memory_space<vmem>>, vector<2048x1xf32>,
    %add3A_179 = arith.addf %dot_general3A_107, %floor3A : vector<1x64xf32>
    %iota3A_180 = tpu.iota {dimensions = array<i32: 1>} : vector<1x64xi32>
    %convert_element_type3A_181 = arith.sitofp %iota3A_180 : vector<1x64xi32> to vector<1x64xf32>
    %gt3A_182 = arith.constant 0.000000e+00 : f32
    %gt3A_183 = vector.broadcast %gt3A_182 : f32 to vector<1x64xf32>
    %gt3A_184 = arith.cmpf ogt, %min3A_95, %gt3A_183 : vector<1x64xf32>
    %jit3A_185 = arith.constant -1.000000e+00 : f32
    %broadcast_in_dim3A_186 = vector.broadcast %jit3A_185 : f32 to vector<1x64xf32>
    %select_n3A_187 = arith.select %gt3A_184, %convert_element_type3A_181, %broadcast_in_dim3A_186 : vector<1x64xi1>, vector<1x64xf32>
    %reduce_max3A_188 = vector.shape_cast %select_n3A_187 : vector<1x64xf32> to vector<1x1x64xf32>
    %reduce_max3A_189 = arith.constant dense<0xFF800000> : vector<1xf32>
    %reduce_max3A_190 = vector.multi_reduction <maximumf>, %reduce_max3A_188, %reduce_max3A_189 [1, 2] : vector<1x1x64xf32> to vector<1xf32>
    %reduce_max3A_191 = vector.shape_cast %reduce_max3A_190 : vector<1xf32> to vector<1x1x1xf32>
    %reduce_max3A_192 = vector.extract %reduce_max3A_191[0, 0, 0] : f32 from vector<1x1x1xf32>
    %iota3A_193 = tpu.iota {dimensions = array<i32: 0>} : vector<64x64xi32>
    %iota3A_194 = tpu.iota {dimensions = array<i32: 1>} : vector<64x64xi32>
    %eq3A_195 = arith.cmpi eq, %iota3A_193, %iota3A_194 : vector<64x64xi32>
    %convert_element_type3A_196 = arith.extui %eq3A_195 : vector<64x64xi1> to vector<64x64xi32>
    %convert_element_type3A_197 = arith.sitofp %convert_element_type3A_196 : vector<64x64xi32> to vector<64x64xf32>
    %broadcast_in_dim3A_198 = arith.constant 1.000000e+00 : f32
    %broadcast_in_dim3A_199 = vector.broadcast %broadcast_in_dim3A_198 : f32 to vector<64x1xf32>
    %dot_general3A_200 = arith.constant dense<0.000000e+00> : vector<64x64xf32>
    %dot_general3A_201 = tpu.matmul %broadcast_in_dim3A_199, %add3A_179, %dot_general3A_200 {dimension_numbers = #tpu.dot_dimension_numbers<[1], [0], [0], [1], [0, 0, 1, 1], [], []>, transpose_lhs_hint = false} : vector<64x1xf32>, vector<1x64xf32>, vector<64x64xf32> -> vector<64x64xf32>
    %mul3A_202 = arith.mulf %dot_general3A_201, %convert_element_type3A_197 : vector<64x64xf32>
    %reduce_sum3A_203 = arith.constant dense<0.000000e+00> : vector<64xf32>
    %reduce_sum3A_204 = vector.multi_reduction <add>, %mul3A_202, %reduce_sum3A_203 [1] : vector<64x64xf32> to vector<64xf32>
    %broadcast_in_dim3A_205 = vector.shape_cast %reduce_sum3A_204 : vector<64xf32> to vector<64x1xf32>
    %iota3A_206 = tpu.iota {dimensions = array<i32: 1>} : vector<64x80xi32>
    %convert_element_type3A_207 = arith.sitofp %iota3A_206 : vector<64x80xi32> to vector<64x80xf32>
    %le3A = vector.broadcast %broadcast_in_dim3A_205 : vector<64x1xf32> to vector<64x80xf32>
    %le3A_208 = arith.cmpf ole, %le3A, %convert_element_type3A_207 : vector<64x80xf32>
    %convert_element_type3A_209 = arith.extui %le3A_208 : vector<64x80xi1> to vector<64x80xi32>
    %convert_element_type3A_210 = arith.sitofp %convert_element_type3A_209 : vector<64x80xi32> to vector<64x80xf32>
    %reduce_sum3A_211 = arith.constant dense<0.000000e+00> : vector<80xf32>
    %reduce_sum3A_212 = vector.multi_reduction <add>, %convert_element_type3A_210, %reduce_sum3A_211 [0] : vector<64x80xf32> to vector<80xf32>
    %broadcast_in_dim3A_213 = vector.shape_cast %reduce_sum3A_212 : vector<80xf32> to vector<1x80xf32>
    %iota3A_214 = tpu.iota {dimensions = array<i32: 1>} : vector<1x80xi32>
    %convert_element_type3A_215 = arith.sitofp %iota3A_214 : vector<1x80xi32> to vector<1x80xf32>
    %lt3A_216 = vector.broadcast %reduce_sum3A_112 : f32 to vector<1x80xf32>
    %lt3A_217 = arith.cmpf olt, %convert_element_type3A_215, %lt3A_216 : vector<1x80xf32>
    %broadcast_in_dim3A_218 = vector.broadcast %reduce_max3A_192 : f32 to vector<1x80xf32>
    %select_n3A_219 = arith.select %lt3A_217, %broadcast_in_dim3A_213, %broadcast_in_dim3A_218 : vector<1x80xi1>, vector<1x80xf32>
    %convert_element_type3A_220 = arith.fptosi %select_n3A_219 : vector<1x80xf32> to vector<1x80xi32>
    %swap3A_221 = arith.constant 0 : index
    %swap3A_222 = arith.constant 0 : index
    %swap3A_223 = vector.load %arg6[%swap3A_221, %swap3A_222] : memref<1x80xi32, #tpu.memory_space<vmem>>, vector<1x80xi32>
    tpu.vector_store %arg6[%swap3A_221, %swap3A_222], %convert_element_type3A_220 {strides = array<i32>} : memref<1x80xi32, #tpu.memory_space<vmem>>, vector<1x80xi32>,
    %broadcast_in_dim3A_224 = vector.broadcast %reduce_sum3A_112 : f32 to vector<1x1xf32>
    %convert_element_type3A_225 = arith.fptosi %broadcast_in_dim3A_224 : vector<1x1xf32> to vector<1x1xi32>
    %swap3A_226 = arith.constant 0 : index
    %swap3A_227 = arith.constant 0 : index
    %swap3A_228 = vector.load %arg7[%swap3A_226, %swap3A_227] : memref<1x1xi32, #tpu.memory_space<vmem>>, vector<1x1xi32>
    tpu.vector_store %arg7[%swap3A_226, %swap3A_227], %convert_element_type3A_225 {strides = array<i32>} : memref<1x1xi32, #tpu.memory_space<vmem>>, vector<1x1xi32>,
    return
  }
}

</mosaic_0001>

<sc_bundles>
// kernel: kernel.10.cloned.1.call-start
scs
__scs_entry_jumppad:
0x0: {  	(pc) =	sbr.rel $0x88, $3  }
0x1: {  	(tag) =	ssettag $0x0;
	lr =	simm.s32 $0x1  }
0x2: {  	[smem:$0x3F98] =	sst lr;
	_ =	strace $0xD0000000  }
0x3: {  	_ = 	snop  }
0x4: {  	_ = 	snop  }
0x5: {  	_ = 	snop  }
0x6: {  	_ = 	snop  }
0x7: {  	_ = 	snop  }
__scs_overlays_trampoline_lowered:
0x8: {  	[smem:$0x3FA7] =	sst s0  }
0x9: {  	[smem:$0x3FA8] =	sst s1  }
0xa: {  	[smem:$0x3FA9] =	sst s2  }
0xb: {  	[smem:$0x3FAA] =	sst s3  }
0xc: {  	[smem:$0x3FAB] =	sst s4  }
0xd: {  	[smem:$0x3FAC] =	sst s5  }
0xe: {  	[smem:$0x3FAD] =	sst s6  }
0xf: {  	[smem:$0x3FAE] =	sst s7  }
0x10: {  	[smem:$0x3FAF] =	sst s8  }
0x11: {  	[smem:$0x3FB0] =	sst s9;
	s0 =	simm.s32 @!p0 $0x0  }
0x12: {  	s1 =	sld [smem:$0x3F96];
	s0 =	simm.s32 @p0 $0x1  }
0x13: {  	[smem:$0x3FB1] =	sst s0;
	s0 =	simm.s32 @!p1 $0x0  }
0x14: {  	s2 =	sld [smem:$0x3F95];
	s0 =	simm.s32 @p1 $0x1  }
0x15: {  	[smem:$0x3FB2] =	sst s0;
	s0 =	simm.s32 @!p2 $0x0  }
0x16: {  	s3 =	sld [smem:$0x3FDB];
	s0 =	simm.s32 @p2 $0x1  }
0x17: {  	s4 =	simm.s32 $0x1BF5;
	[smem:$0x3FB4] =	sst s0  }
0x18: {  	s0 =	sld [smem:$0x3F97];
	_ =	swait.ge [sflag:s4], $0x0  }
0x19: {  	s7 =	sld [smem:$0x3F98]  }
0x1a: {  	s8 =	sadd.s32 $0xFFFFE003, lr  }
0x1b: {  	s9 =	sadd.s32 $0xFFFFFEF7, lr;
	s5 =	simm.s32 $0xFFFFFFFF;
	p2 =	slt.u32 s8, $0xFFFFF086  }
0x1c: {  	p1 =	slt.u32 s9, $0xF7A;
	s5 =	simm.s32 @!p2 $0x0  }
0x1d: {  	s5 =	simm.s32 @p1 $0x1;
	p0 =	seq.s32 s7, s2  }
0x1e: {  	s7 =	smul.u32 @!p0 $0xF7A, s2;
	p2 =	seq.s32 @!p0 s5, $0x0  }
0x1f: {  	s9 =	smul.u32 $0xF7A, s1;
	s8 =	simm.s32 @!p0 $0x1BF5;
	p2 =	por !p2, p0  }
0x20: {  	[sflag:s8] =	ssyncset.s32 @!p0 $0xFFFFF086;
	s6 =	sadd.s32 @!p0 s3, s7;
	s7 =	simm.s32 @!p0 $0x108  }
0x21: {  	s3 =	sadd.s32 s3, s9;
	s6 =	sadd.s32 @!p0 $0x88, s6;
	s7 =	simm.s32 @p2 $0x1082  }
0x22: {  	[simem:s7], [sflag:s8] =	dma.local @!p0 [hbm:s6], $0xF7A  }
0x23: {  	s9 =	sor.u32 $0xD0000000, s2;
	s6 =	simm.s32 $0x108;
	_ =	swait.ge @!p0 [sflag:s8], $0x0  }
0x24: {  	s3 =	sadd.s32 $0x88, s3;
	s6 =	simm.s32 @!p1 $0x1082;
	[sflag:s4] =	ssyncset.s32 $0xFFFFF086  }
0x25: {  	[simem:s6], [sflag:s4] =	dma.local [hbm:s3], $0xF7A  }
0x26: {  	[smem:$0x3F98] =	sst s1;
	(tag) =	ssettag s2;
	_ =	strace s9  }
0x27: {  	s1 =	sld [smem:$0x3FA8]  }
0x28: {  	s2 =	sld [smem:$0x3FA9]  }
0x29: {  	s4 =	sld [smem:$0x3FAB]  }
0x2a: {  	p0 =	seq.s32 s5, $0x0;
	s5 =	sld [smem:$0x3FAC]  }
0x2b: {  	s6 =	sld [smem:$0x3FAD]  }
0x2c: {  	s7 =	sld [smem:$0x3FAE]  }
0x2d: {  	s3 =	simm.s32 $0x108;
	s8 =	sld [smem:$0x3FAF]  }
0x2e: {  	s3 =	simm.s32 @!p0 $0x1082;
	s9 =	sld [smem:$0x3FB0]  }
0x2f: {  	lr =	sadd.s32 s0, s3;
	s0 =	sld [smem:$0x3FA7]  }
0x30: {  	s3 =	sld [smem:$0x3FAA]  }
0x31: {  	[smem:$0x3FB3] =	sst s10  }
0x32: {  	s10 =	sld [smem:$0x3FB1];
	_ =	sdelay $0x3  }
0x33: {  	p0 =	seq.s32 s10, $0x1;
	s10 =	sld [smem:$0x3FB3];
	_ =	sdelay $0x3  }
0x34: {  	[smem:$0x3FB3] =	sst s10  }
0x35: {  	s10 =	sld [smem:$0x3FB2];
	_ =	sdelay $0x3  }
0x36: {  	p1 =	seq.s32 s10, $0x1;
	s10 =	sld [smem:$0x3FB3];
	_ =	sdelay $0x3  }
0x37: {  	[smem:$0x3FB3] =	sst s10  }
0x38: {  	s10 =	sld [smem:$0x3FB4]  }
0x39: {  	_ = 	snop;
	(pc) =	sbr.ind lr, $3  }
0x3a: {  	_ = 	snop  }
0x3b: {  	_ = 	snop  }
0x3c: {  	p2 =	seq.s32 s10, $0x1;
	s10 =	sld [smem:$0x3FB3]  }
0x3d: {  	_ =	shalt  }
0x3e: {  	_ =	shalt  }
0x3f: {  	_ =	shalt  }
0x40: {  	_ =	shalt  }
0x41: {  	_ =	shalt  }
0x42: {  	_ =	shalt  }
0x43: {  	_ =	shalt  }
0x44: {  	_ =	shalt  }
0x45: {  	_ =	shalt  }
0x46: {  	_ =	shalt  }
0x47: {  	_ =	shalt  }
0x48: {  	_ =	shalt  }
0x49: {  	_ =	shalt  }
0x4a: {  	_ =	shalt  }
0x4b: {  	_ =	shalt  }
0x4c: {  	_ =	shalt  }
0x4d: {  	_ =	shalt  }
0x4e: {  	_ =	shalt  }
0x4f: {  	_ =	shalt  }
0x50: {  	_ =	shalt  }
0x51: {  	_ =	shalt  }
0x52: {  	_ =	shalt  }
0x53: {  	_ =	shalt  }
0x54: {  	_ =	shalt  }
0x55: {  	_ =	shalt  }
0x56: {  	_ =	shalt  }
0x57: {  	_ =	shalt  }
0x58: {  	_ =	shalt  }
0x59: {  	_ =	shalt  }
0x5a: {  	_ =	shalt  }
0x5b: {  	_ =	shalt  }
0x5c: {  	_ =	shalt  }
0x5d: {  	_ =	shalt  }
0x5e: {  	_ =	shalt  }
0x5f: {  	_ =	shalt  }
0x60: {  	_ =	shalt  }
0x61: {  	_ =	shalt  }
0x62: {  	_ =	shalt  }
0x63: {  	_ =	shalt  }
0x64: {  	_ =	shalt  }
0x65: {  	_ =	shalt  }
0x66: {  	_ =	shalt  }
0x67: {  	_ =	shalt  }
0x68: {  	_ =	shalt  }
0x69: {  	_ =	shalt  }
0x6a: {  	_ =	shalt  }
0x6b: {  	_ =	shalt  }
0x6c: {  	_ =	shalt  }
0x6d: {  	_ =	shalt  }
0x6e: {  	_ =	shalt  }
0x6f: {  	_ =	shalt  }
0x70: {  	_ =	shalt  }
0x71: {  	_ =	shalt  }
0x72: {  	_ =	shalt  }
0x73: {  	_ =	shalt  }
0x74: {  	_ =	shalt  }
0x75: {  	_ =	shalt  }
0x76: {  	_ =	shalt  }
0x77: {  	_ =	shalt  }
0x78: {  	_ =	shalt  }
0x79: {  	_ =	shalt  }
0x7a: {  	_ =	shalt  }
0x7b: {  	_ =	shalt  }
0x7c: {  	_ =	shalt  }
0x7d: {  	_ =	shalt  }
0x7e: {  	_ =	shalt  }
0x7f: {  	_ =	shalt  }
0x80: {  	_ =	shalt  }
0x81: {  	_ =	shalt  }
0x82: {  	_ =	shalt  }
0x83: {  	_ =	shalt  }
0x84: {  	_ =	shalt  }
0x85: {  	_ =	shalt  }
0x86: {  	_ =	shalt  }
0x87: {  	_ =	shalt  }
.Lfunc_end0:
.L_simem_size_0:
called_computation.1_lowered:
.L_overlay_start_0:
0x88: {  	s2 =	sld [smem:$0x3FD9]  }
0x89: {  	s3 =	sld [smem:$0x3FFE];
	_ =	sdelay $0x1  }
0x8a: {  	s1 =	srdreg.scid  }
0x8b: {  	s0 =	sand.u32 $0x1, s1  }
0x8c: {  	s16 =	sshll.u32 s0, $0xA;
	s2 =	sadd.s32 s3, s2  }
0x8d: {  	s2 =	sadd.s32 s2, s16  }
0x8e: {  	[smem:$0x3FBF] =	sst s2  }
0x8f: {  	_ = 	snop  }
0x90: {  	(tm) =	ssettm $0x1  }
0x91: {  	s17 =	sld [smem:$0x3FFB];
	_ =	sdelay $0x3  }
0x92: {  	_ =	strace s17  }
0x93: {  	s2 =	sld [smem:$0x3FFC];
	_ =	sdelay $0x3  }
0x94: {  	_ =	strace s2  }
0x95: {  	s2 =	sld [smem:$0x3FFD];
	_ =	sdelay $0x3  }
0x96: {  	_ =	strace s2  }
0x97: {  	_ =	strace $0x8FFFFFFF  }
0x98: {  	s18 =	sld [smem:$0x3FDB];
	_ =	sdelay $0x1  }
0x99: {  	s19 =	simm.s32 $_scs_section_size  }
0x9a: {  	s4 =	simm.s32 $_size__tile_overlayer_lowered;
	s5 =	simm.s32 $_tile_overlayer_lowered  }
0x9b: {  	s22 =	simm.s32 $0x1BFF;
	s21 =	sshll.u32 s5, $0x1;
	s2 =	sadd.s32 s19, s18  }
0x9c: {  	s6 =	simm.s32 $0x0;
	s20 =	sshll.u32 s4, $0x1;
	s4 =	sadd.s32 s21, s2  }
0x9d: {  	[timem:s6], [sflag:s22] =	dma.local [hbm:s4], s20  }
0x9e: {  	_ =	swait.ge [sflag:s22], s20  }
0x9f: {  	s3 =	ssub.s32 $0x0, s20;
	[sflag:s22] =	ssyncset.done $0x0  }
0xa0: {  	[sflag:s22] =	ssyncadd.s32 s3;
	_ =	sdelay $0x1  }
0xa1: {  	s23 =	simm.s32 $0x1B8B  }
0xa2: {  	_ =	swait.ge [sflag:s23], $0x1  }
0xa3: {  	[sflag:s23] =	ssyncset.done $0x0  }
0xa4: {  	s25 =	simm.s32 $0x1B8E;
	s24 =	sld [smem:$0x3FFE];
	[sflag:s23] =	ssyncadd.s32 $0xFFFFFFFF  }
0xa5: {  	s26 =	simm.s32 $execute0_lowered;
	[smem:$0x3FD2] =	sst s25  }
0xa6: {  	s4 =	sshll.u32 s26, $0x1;
	_ =	strace $0x80000049;
	[dreg:$0x1] =	wrdreg $0xFFFFFFFF  }
0xa7: {  	s28 =	simm.s32 $_size_execute0_lowered;
	s2 =	sadd.s32 s2, s4;
	[dreg:$0x0] =	wrdreg $0x0  }
0xa8: {  	s4 =	sshll.u32 s28, $0x1;
	[dreg:$0x2] =	wrdreg s2  }
0xa9: {  	[dreg:$0x3] =	wrdreg s4  }
0xaa: {  	[dreg:$0x4] =	wrdreg $0xC0  }
0xab: {  	_ =	task [dreg:s6], $0x5FFFF  }
0xac: {  	[dreg:$0x1] =	wrdreg $0xFFFFFFFF  }
0xad: {  	[dreg:$0x0] =	wrdreg $0x60  }
0xae: {  	[dreg:$0x2] =	wrdreg s24  }
0xaf: {  	[dreg:$0x3] =	wrdreg $0x9  }
0xb0: {  	_ =	task.clear_ibuf [dreg:s6], $0x4FFFF;
	_ =	strace $0x90000049  }
0xb1: {  	s29 =	simm.s32 $0x9;
	_ =	strace $0x8000004B  }
0xb2: {  	_ =	swait.ge [sflag:s29], $0x1  }
0xb3: {  	[sflag:s29] =	ssyncadd.s32 $0xFFFFFFFF  }
0xb4: {  	_ =	strace $0x9000004B  }
0xb5: {  	_ =	sfence  }
0xb6: {  	s30 =	sld [smem:$0x0];
	_ =	sdelay $0x2  }
0xb7: {  	s31 =	sshll.u32 s1, $0xD;
	s1 =	sshrl.u32 s1, $0x2  }
0xb8: {  	s3 =	sand.u32 $0x4000, s31;
	s1 =	sadd.s32 s1, s30  }
0xb9: {  	s0 =	sor.u32 s3, s0;
	s1 =	sshll.u32 s1, $0x11  }
0xba: {  	s0 =	sor.u32 s1, s0  }
0xbb: {  	s0 =	sadd.s32 $0x8F2B, s0  }
0xbc: {  	[sflag:s0] =	ssyncadd.remote.s32 $0x1  }
0xbd: {  	_ =	sfence.sel $0xFFFF  }
0xbe: {  	[dreg:$0x0] =	wrdreg $0xFFFFFFFF;
	(pc) =	sbr.abs _section_cstart, $3  }
0xbf: {  	[dreg:$0x1] =	wrdreg $0xFFFFFFFF  }
0xc0: {  	_ =	task.clear_ibuf [dreg:s6], $0x2FFFF;
	_ =	strace $0x9FFFFFFF  }
0xc1: {  	(tm) =	ssettm $0x7FFFFFFF  }
tec
execute0_lowered:
.L_overlay_start_1:
0x0: {  	(tag) =	ssettag $0x1  }
0x1: {  	s0 =	rddreg [dreg:$0x0]  }
0x2: {  	s1 =	srdreg.scid;
	s3 =	stileid.u32  }
0x3: {  	s2 =	simm.s32 $0x0;
	s8 =	simm.s32 $0x10000;
	s16 =	simm.s32 $0x1  }
0x4: {  	s19 =	simm.s32 $0x1000;
	s20 =	simm.s32 $0x1800;
	s21 =	simm.s32 $0x2000  }
0x5: {  	s22 =	simm.s32 $0x2800;
	s23 =	simm.s32 $0x3000;
	s24 =	simm.s32 $0x3800  }
0x6: {  	s28 =	simm.s32 $0x5000;
	s29 =	simm.s32 $0x5800;
	s30 =	simm.s32 $0x6000  }
0x7: {  	s31 =	simm.s32 $0x6800;
	s9 =	simm.s32 $0x8000;
	s10 =	simm.s32 $0x8800  }
0x8: {  	s11 =	simm.s32 $0x9000;
	s12 =	simm.s32 $0x9800;
	s13 =	simm.s32 $0xA000  }
0x9: {  	s14 =	simm.s32 $0xA800;
	s1 =	sand.u32 $0x1, s1;
	s3 =	sshll.u32 s3, $0x1  }
0xa: {  	s15 =	simm.s32 $0xB000;
	[smem:$0x7FF] =	sst s2;
	s4 =	sor.u32 s1, s3  }
0xb: {  	_ =	strace $0x8000004A;
	s3 =	sadd.s32 $0x28AA00, s0;
	s1 =	ssub.s32 $0x2, s1  }
0xc: {  	[dreg:$0x5] =	wrdreg s8;
	s8 =	simm.s32 $0x2;
	s5 =	sshll.u32 s4, $0x5  }
0xd: {  	s4 =	sshll.u32 s4, $0xD;
	s25 =	sshrl.u32 s1, $0x1;
	s5 =	sadd.s32 s5, s0  }
0xe: {  	s6 =	sadd.s32 s4, s0;
	s1 =	ssub.s32 s1, s25;
	s4 =	sadd.s32 $0x28AB00, s0  }
0xf: {  	s25 =	simm.s32 $0x4000;
	s5 =	sadd.s32 $0x28A600, s5;
	s26 =	sadd.s32 $0x2000, s6  }
0x10: {  	v2 =	vlaneseq.u32;
	s6 =	sadd.s32 $0x42000, s6;
	s7 =	smax.u32 s1, $0x1;
	[dreg:$0x2] =	wrdreg s5  }
0x11: {  	vm0 =	vmmov $0xffff;
	v1 =	vshrl.u32 v2, $0x3;
	s1 =	simm.s32 $0x7800;
	[dreg:$0x3] =	wrdreg s26;
	s5 =	sadd.s32 $0x28AC00, s0  }
0x12: {  	v0 =	vand.u32 $0x7, v2;
	v2 =	vor.u32 $0x8, v2;
	v1 =	vmul.u32 $0x8, v1;
	[dreg:$0x4] =	wrdreg s6;
	s6 =	sadd.s32 $0x28AD00, s0;
	s26 =	simm.s32 $0x4800  }
.LBB2_1:
0x13: {  	s17 =	rddreg [dreg:$0x2]  }
0x14: {  	s18 =	rddreg [dreg:$0x5]  }
0x15: {  	[tilespmem:s18], [sflag:$0x2] =	stream.linear.gather [hbm4b:s17+s2], $0x100, $0x38;
	[tilespmem:$0x10100] =	vst v63  }
0x16: {  	_ =	swait.ge [sflag:s8], $0x100  }
0x17: {  	[sflag:s8] =	ssyncset.done $0x0  }
0x18: {  	[sflag:s8] =	ssyncadd.s32 $0xFFFFFF00  }
0x19: {  	v3 =	vld [tilespmem:$0x10000];
	_ =	sdelay $0x4  }
0x1a: {  	v4 =	vshll.u32 v3, $0x3  }
0x1b: {  	v3 =	vand.u32 $0x7, v3;
	v4 =	vand.u32 $0xFFFFFFC0, v4  }
0x1c: {  	v3 =	vor.u32 v3, v4  }
0x1d: {  	v4 =	vperm.xlane v3, v0;
	_ =	sdelay $0x1  }
0x1e: {  	v4 =	vadd.s32 v1, v4;
	_ =	sdelay $0x4  }
0x1f: {  	[tilespmem:s2], [sflag:$0x1] =	stream.indirect_vreg.gather [hbm4b:s3+s2], $0x80, v4, vm0, $0xb8;
	[tilespmem:$0x10100] =	vst v63  }
0x20: {  	s18 =	simm.s32 $0x800;
	v3 =	vperm.xlane v3, v2  }
0x21: {  	[tilespmem:s18], [sflag:$0x1] =	stream.indirect_vreg.gather [hbm4b:s4+s2], $0x80, v4, vm0, $0xb8;
	[tilespmem:$0x10100] =	vst v63  }
0x22: {  	v3 =	vadd.s32 v1, v3  }
0x23: {  	[tilespmem:s19], [sflag:$0x1] =	stream.indirect_vreg.gather [hbm4b:s5+s2], $0x80, v4, vm0, $0xb8;
	[tilespmem:$0x10100] =	vst v63  }
0x24: {  	_ = 	snop  }
0x25: {  	[tilespmem:s20], [sflag:$0x1] =	stream.indirect_vreg.gather [hbm4b:s6+s2], $0x80, v4, vm0, $0xb8;
	[tilespmem:$0x10100] =	vst v63  }
0x26: {  	_ = 	snop  }
0x27: {  	[tilespmem:s21], [sflag:$0x1] =	stream.indirect_vreg.gather [hbm4b:s3+s2], $0x80, v3, vm0, $0xb8;
	[tilespmem:$0x10100] =	vst v63  }
0x28: {  	_ = 	snop  }
0x29: {  	[tilespmem:s22], [sflag:$0x1] =	stream.indirect_vreg.gather [hbm4b:s4+s2], $0x80, v3, vm0, $0xb8;
	[tilespmem:$0x10100] =	vst v63  }
0x2a: {  	_ = 	snop  }
0x2b: {  	[tilespmem:s23], [sflag:$0x1] =	stream.indirect_vreg.gather [hbm4b:s5+s2], $0x80, v3, vm0, $0xb8;
	[tilespmem:$0x10100] =	vst v63  }
0x2c: {  	_ = 	snop  }
0x2d: {  	[tilespmem:s24], [sflag:$0x1] =	stream.indirect_vreg.gather [hbm4b:s6+s2], $0x80, v3, vm0, $0xb8;
	[tilespmem:$0x10100] =	vst v63  }
0x2e: {  	v3 =	vld [tilespmem:$0x10010];
	_ =	sdelay $0x4  }
0x2f: {  	v57 =	vshll.u32 v3, $0x3  }
0x30: {  	v3 =	vand.u32 $0x7, v3;
	v4 =	vand.u32 $0xFFFFFFC0, v57  }
0x31: {  	v3 =	vor.u32 v3, v4  }
0x32: {  	v4 =	vperm.xlane v3, v0;
	_ =	sdelay $0x1  }
0x33: {  	v4 =	vadd.s32 v1, v4;
	_ =	sdelay $0x4  }
0x34: {  	[tilespmem:s25], [sflag:$0x1] =	stream.indirect_vreg.gather [hbm4b:s3+s2], $0x80, v4, vm0, $0xb8;
	[tilespmem:$0x10100] =	vst v63  }
0x35: {  	v3 =	vperm.xlane v3, v2  }
0x36: {  	[tilespmem:s26], [sflag:$0x1] =	stream.indirect_vreg.gather [hbm4b:s4+s2], $0x80, v4, vm0, $0xb8;
	[tilespmem:$0x10100] =	vst v63  }
0x37: {  	v3 =	vadd.s32 v1, v3  }
0x38: {  	[tilespmem:s28], [sflag:$0x1] =	stream.indirect_vreg.gather [hbm4b:s5+s2], $0x80, v4, vm0, $0xb8;
	[tilespmem:$0x10100] =	vst v63  }
0x39: {  	_ = 	snop  }
0x3a: {  	[tilespmem:s29], [sflag:$0x1] =	stream.indirect_vreg.gather [hbm4b:s6+s2], $0x80, v4, vm0, $0xb8;
	[tilespmem:$0x10100] =	vst v63  }
0x3b: {  	_ = 	snop  }
0x3c: {  	[tilespmem:s30], [sflag:$0x1] =	stream.indirect_vreg.gather [hbm4b:s3+s2], $0x80, v3, vm0, $0xb8;
	[tilespmem:$0x10100] =	vst v63  }
0x3d: {  	_ = 	snop  }
0x3e: {  	[tilespmem:s31], [sflag:$0x1] =	stream.indirect_vreg.gather [hbm4b:s4+s2], $0x80, v3, vm0, $0xb8;
	[tilespmem:$0x10100] =	vst v63  }
0x3f: {  	s0 =	simm.s32 $0x7000  }
0x40: {  	[tilespmem:s0], [sflag:$0x1] =	stream.indirect_vreg.gather [hbm4b:s5+s2], $0x80, v3, vm0, $0xb8;
	[tilespmem:$0x10100] =	vst v63  }
0x41: {  	_ = 	snop  }
0x42: {  	[tilespmem:s1], [sflag:$0x1] =	stream.indirect_vreg.gather [hbm4b:s6+s2], $0x80, v3, vm0, $0xb8;
	[tilespmem:$0x10100] =	vst v63  }
0x43: {  	v3 =	vld [tilespmem:$0x10020];
	_ =	sdelay $0x4  }
0x44: {  	v58 =	vshll.u32 v3, $0x3  }
0x45: {  	v3 =	vand.u32 $0x7, v3;
	v4 =	vand.u32 $0xFFFFFFC0, v58  }
0x46: {  	v3 =	vor.u32 v3, v4  }
0x47: {  	v4 =	vperm.xlane v3, v0;
	_ =	sdelay $0x1  }
0x48: {  	v4 =	vadd.s32 v1, v4;
	_ =	sdelay $0x4  }
0x49: {  	[tilespmem:s9], [sflag:$0x1] =	stream.indirect_vreg.gather [hbm4b:s3+s2], $0x80, v4, vm0, $0xb8;
	[tilespmem:$0x10100] =	vst v63  }
0x4a: {  	v3 =	vperm.xlane v3, v2  }
0x4b: {  	[tilespmem:s10], [sflag:$0x1] =	stream.indirect_vreg.gather [hbm4b:s4+s2], $0x80, v4, vm0, $0xb8;
	[tilespmem:$0x10100] =	vst v63  }
0x4c: {  	v3 =	vadd.s32 v1, v3  }
0x4d: {  	[tilespmem:s11], [sflag:$0x1] =	stream.indirect_vreg.gather [hbm4b:s5+s2], $0x80, v4, vm0, $0xb8;
	[tilespmem:$0x10100] =	vst v63  }
0x4e: {  	_ = 	snop  }
0x4f: {  	[tilespmem:s12], [sflag:$0x1] =	stream.indirect_vreg.gather [hbm4b:s6+s2], $0x80, v4, vm0, $0xb8;
	[tilespmem:$0x10100] =	vst v63  }
0x50: {  	_ = 	snop  }
0x51: {  	[tilespmem:s13], [sflag:$0x1] =	stream.indirect_vreg.gather [hbm4b:s3+s2], $0x80, v3, vm0, $0xb8;
	[tilespmem:$0x10100] =	vst v63  }
0x52: {  	_ = 	snop  }
0x53: {  	[tilespmem:s14], [sflag:$0x1] =	stream.indirect_vreg.gather [hbm4b:s4+s2], $0x80, v3, vm0, $0xb8;
	[tilespmem:$0x10100] =	vst v63  }
0x54: {  	_ = 	snop  }
0x55: {  	[tilespmem:s15], [sflag:$0x1] =	stream.indirect_vreg.gather [hbm4b:s5+s2], $0x80, v3, vm0, $0xb8;
	[tilespmem:$0x10100] =	vst v63  }
0x56: {  	s17 =	simm.s32 $0xB800  }
0x57: {  	[tilespmem:s17], [sflag:$0x1] =	stream.indirect_vreg.gather [hbm4b:s6+s2], $0x80, v3, vm0, $0xb8;
	[tilespmem:$0x10100] =	vst v63  }
0x58: {  	v3 =	vld [tilespmem:$0x10030];
	_ =	sdelay $0x4  }
0x59: {  	v59 =	vshll.u32 v3, $0x3  }
0x5a: {  	v3 =	vand.u32 $0x7, v3;
	v4 =	vand.u32 $0xFFFFFFC0, v59  }
0x5b: {  	v3 =	vor.u32 v3, v4  }
0x5c: {  	v4 =	vperm.xlane v3, v0;
	_ =	sdelay $0x1  }
0x5d: {  	v4 =	vadd.s32 v1, v4;
	_ =	sdelay $0x3  }
0x5e: {  	s17 =	simm.s32 $0xC000  }
0x5f: {  	[tilespmem:s17], [sflag:$0x1] =	stream.indirect_vreg.gather [hbm4b:s3+s2], $0x80, v4, vm0, $0xb8;
	[tilespmem:$0x10100] =	vst v63  }
0x60: {  	v3 =	vperm.xlane v3, v2;
	s17 =	simm.s32 $0xC800  }
0x61: {  	[tilespmem:s17], [sflag:$0x1] =	stream.indirect_vreg.gather [hbm4b:s4+s2], $0x80, v4, vm0, $0xb8;
	[tilespmem:$0x10100] =	vst v63  }
0x62: {  	v3 =	vadd.s32 v1, v3;
	s17 =	simm.s32 $0xD000  }
0x63: {  	[tilespmem:s17], [sflag:$0x1] =	stream.indirect_vreg.gather [hbm4b:s5+s2], $0x80, v4, vm0, $0xb8;
	[tilespmem:$0x10100] =	vst v63  }
0x64: {  	s17 =	simm.s32 $0xD800  }
0x65: {  	[tilespmem:s17], [sflag:$0x1] =	stream.indirect_vreg.gather [hbm4b:s6+s2], $0x80, v4, vm0, $0xb8;
	[tilespmem:$0x10100] =	vst v63  }
0x66: {  	s17 =	simm.s32 $0xE000  }
0x67: {  	[tilespmem:s17], [sflag:$0x1] =	stream.indirect_vreg.gather [hbm4b:s3+s2], $0x80, v3, vm0, $0xb8;
	[tilespmem:$0x10100] =	vst v63  }
0x68: {  	s17 =	simm.s32 $0xE800  }
0x69: {  	[tilespmem:s17], [sflag:$0x1] =	stream.indirect_vreg.gather [hbm4b:s4+s2], $0x80, v3, vm0, $0xb8;
	[tilespmem:$0x10100] =	vst v63  }
0x6a: {  	s17 =	simm.s32 $0xF000  }
0x6b: {  	[tilespmem:s17], [sflag:$0x1] =	stream.indirect_vreg.gather [hbm4b:s5+s2], $0x80, v3, vm0, $0xb8;
	[tilespmem:$0x10100] =	vst v63  }
0x6c: {  	s17 =	simm.s32 $0xF800  }
0x6d: {  	[tilespmem:s17], [sflag:$0x1] =	stream.indirect_vreg.gather [hbm4b:s6+s2], $0x80, v3, vm0, $0xb8;
	[tilespmem:$0x10100] =	vst v63  }
0x6e: {  	_ =	swait.ge [sflag:s16], $0x10000  }
0x6f: {  	[sflag:s16] =	ssyncset.done $0x0  }
0x70: {  	s17 =	rddreg [dreg:$0x3];
	[sflag:s16] =	ssyncadd.s32 $0xFFFF0000  }
0x71: {  	[hbm4b:s17+s2] =	stream.linear.scatter [tilespmem:s2], [sflag:$0x2], $0x10000, $0x38;
	[tilespmem:$0x10100] =	vst v63  }
0x72: {  	_ =	swait.ge [sflag:s8], $0x10000  }
0x73: {  	[sflag:s8] =	ssyncset.done $0x0  }
0x74: {  	[sflag:s8] =	ssyncadd.s32 $0xFFFF0000  }
0x75: {  	v3 =	vld [tilespmem:$0x10080];
	_ =	sdelay $0x4  }
0x76: {  	v60 =	vshll.u32 v3, $0x3  }
0x77: {  	v3 =	vand.u32 $0x7, v3;
	v4 =	vand.u32 $0xFFFFFFC0, v60  }
0x78: {  	v3 =	vor.u32 v3, v4  }
0x79: {  	v4 =	vperm.xlane v3, v0;
	_ =	sdelay $0x1  }
0x7a: {  	v4 =	vadd.s32 v1, v4;
	_ =	sdelay $0x4  }
0x7b: {  	[tilespmem:s2], [sflag:$0x1] =	stream.indirect_vreg.gather [hbm4b:s3+s2], $0x80, v4, vm0, $0xb8;
	[tilespmem:$0x10100] =	vst v63  }
0x7c: {  	v3 =	vperm.xlane v3, v2  }
0x7d: {  	[tilespmem:s18], [sflag:$0x1] =	stream.indirect_vreg.gather [hbm4b:s4+s2], $0x80, v4, vm0, $0xb8;
	[tilespmem:$0x10100] =	vst v63  }
0x7e: {  	v3 =	vadd.s32 v1, v3  }
0x7f: {  	[tilespmem:s19], [sflag:$0x1] =	stream.indirect_vreg.gather [hbm4b:s5+s2], $0x80, v4, vm0, $0xb8;
	[tilespmem:$0x10100] =	vst v63  }
0x80: {  	_ = 	snop  }
0x81: {  	[tilespmem:s20], [sflag:$0x1] =	stream.indirect_vreg.gather [hbm4b:s6+s2], $0x80, v4, vm0, $0xb8;
	[tilespmem:$0x10100] =	vst v63  }
0x82: {  	_ = 	snop  }
0x83: {  	[tilespmem:s21], [sflag:$0x1] =	stream.indirect_vreg.gather [hbm4b:s3+s2], $0x80, v3, vm0, $0xb8;
	[tilespmem:$0x10100] =	vst v63  }
0x84: {  	_ = 	snop  }
0x85: {  	[tilespmem:s22], [sflag:$0x1] =	stream.indirect_vreg.gather [hbm4b:s4+s2], $0x80, v3, vm0, $0xb8;
	[tilespmem:$0x10100] =	vst v63  }
0x86: {  	_ = 	snop  }
0x87: {  	[tilespmem:s23], [sflag:$0x1] =	stream.indirect_vreg.gather [hbm4b:s5+s2], $0x80, v3, vm0, $0xb8;
	[tilespmem:$0x10100] =	vst v63  }
0x88: {  	_ = 	snop  }
0x89: {  	[tilespmem:s24], [sflag:$0x1] =	stream.indirect_vreg.gather [hbm4b:s6+s2], $0x80, v3, vm0, $0xb8;
	[tilespmem:$0x10100] =	vst v63  }
0x8a: {  	v3 =	vld [tilespmem:$0x10090];
	_ =	sdelay $0x4  }
0x8b: {  	v61 =	vshll.u32 v3, $0x3  }
0x8c: {  	v3 =	vand.u32 $0x7, v3;
	v4 =	vand.u32 $0xFFFFFFC0, v61  }
0x8d: {  	v3 =	vor.u32 v3, v4  }
0x8e: {  	v4 =	vperm.xlane v3, v0;
	_ =	sdelay $0x1  }
0x8f: {  	v4 =	vadd.s32 v1, v4;
	_ =	sdelay $0x4  }
0x90: {  	[tilespmem:s25], [sflag:$0x1] =	stream.indirect_vreg.gather [hbm4b:s3+s2], $0x80, v4, vm0, $0xb8;
	[tilespmem:$0x10100] =	vst v63  }
0x91: {  	v3 =	vperm.xlane v3, v2  }
0x92: {  	[tilespmem:s26], [sflag:$0x1] =	stream.indirect_vreg.gather [hbm4b:s4+s2], $0x80, v4, vm0, $0xb8;
	[tilespmem:$0x10100] =	vst v63  }
0x93: {  	v3 =	vadd.s32 v1, v3  }
0x94: {  	[tilespmem:s28], [sflag:$0x1] =	stream.indirect_vreg.gather [hbm4b:s5+s2], $0x80, v4, vm0, $0xb8;
	[tilespmem:$0x10100] =	vst v63  }
0x95: {  	_ = 	snop  }
0x96: {  	[tilespmem:s29], [sflag:$0x1] =	stream.indirect_vreg.gather [hbm4b:s6+s2], $0x80, v4, vm0, $0xb8;
	[tilespmem:$0x10100] =	vst v63  }
0x97: {  	_ = 	snop  }
0x98: {  	[tilespmem:s30], [sflag:$0x1] =	stream.indirect_vreg.gather [hbm4b:s3+s2], $0x80, v3, vm0, $0xb8;
	[tilespmem:$0x10100] =	vst v63  }
0x99: {  	_ = 	snop  }
0x9a: {  	[tilespmem:s31], [sflag:$0x1] =	stream.indirect_vreg.gather [hbm4b:s4+s2], $0x80, v3, vm0, $0xb8;
	[tilespmem:$0x10100] =	vst v63  }
0x9b: {  	_ = 	snop  }
0x9c: {  	[tilespmem:s0], [sflag:$0x1] =	stream.indirect_vreg.gather [hbm4b:s5+s2], $0x80, v3, vm0, $0xb8;
	[tilespmem:$0x10100] =	vst v63  }
0x9d: {  	_ = 	snop  }
0x9e: {  	[tilespmem:s1], [sflag:$0x1] =	stream.indirect_vreg.gather [hbm4b:s6+s2], $0x80, v3, vm0, $0xb8;
	[tilespmem:$0x10100] =	vst v63  }
0x9f: {  	v3 =	vld [tilespmem:$0x100A0];
	_ =	sdelay $0x4  }
0xa0: {  	v62 =	vshll.u32 v3, $0x3  }
0xa1: {  	v3 =	vand.u32 $0x7, v3;
	v4 =	vand.u32 $0xFFFFFFC0, v62  }
0xa2: {  	v3 =	vor.u32 v3, v4  }
0xa3: {  	v4 =	vperm.xlane v3, v0;
	_ =	sdelay $0x1  }
0xa4: {  	v4 =	vadd.s32 v1, v4;
	_ =	sdelay $0x4  }
0xa5: {  	[tilespmem:s9], [sflag:$0x1] =	stream.indirect_vreg.gather [hbm4b:s3+s2], $0x80, v4, vm0, $0xb8;
	[tilespmem:$0x10100] =	vst v63  }
0xa6: {  	v3 =	vperm.xlane v3, v2  }
0xa7: {  	[tilespmem:s10], [sflag:$0x1] =	stream.indirect_vreg.gather [hbm4b:s4+s2], $0x80, v4, vm0, $0xb8;
	[tilespmem:$0x10100] =	vst v63  }
0xa8: {  	v3 =	vadd.s32 v1, v3  }
0xa9: {  	[tilespmem:s11], [sflag:$0x1] =	stream.indirect_vreg.gather [hbm4b:s5+s2], $0x80, v4, vm0, $0xb8;
	[tilespmem:$0x10100] =	vst v63  }
0xaa: {  	_ = 	snop  }
0xab: {  	[tilespmem:s12], [sflag:$0x1] =	stream.indirect_vreg.gather [hbm4b:s6+s2], $0x80, v4, vm0, $0xb8;
	[tilespmem:$0x10100] =	vst v63  }
0xac: {  	_ = 	snop  }
0xad: {  	[tilespmem:s13], [sflag:$0x1] =	stream.indirect_vreg.gather [hbm4b:s3+s2], $0x80, v3, vm0, $0xb8;
	[tilespmem:$0x10100] =	vst v63  }
0xae: {  	_ = 	snop  }
0xaf: {  	[tilespmem:s14], [sflag:$0x1] =	stream.indirect_vreg.gather [hbm4b:s4+s2], $0x80, v3, vm0, $0xb8;
	[tilespmem:$0x10100] =	vst v63  }
0xb0: {  	_ = 	snop  }
0xb1: {  	[tilespmem:s15], [sflag:$0x1] =	stream.indirect_vreg.gather [hbm4b:s5+s2], $0x80, v3, vm0, $0xb8;
	[tilespmem:$0x10100] =	vst v63  }
0xb2: {  	s17 =	simm.s32 $0xB800  }
0xb3: {  	[tilespmem:s17], [sflag:$0x1] =	stream.indirect_vreg.gather [hbm4b:s6+s2], $0x80, v3, vm0, $0xb8;
	[tilespmem:$0x10100] =	vst v63  }
0xb4: {  	v3 =	vld [tilespmem:$0x100B0];
	_ =	sdelay $0x4  }
0xb5: {  	v63 =	vshll.u32 v3, $0x3  }
0xb6: {  	v3 =	vand.u32 $0x7, v3;
	v4 =	vand.u32 $0xFFFFFFC0, v63  }
0xb7: {  	v3 =	vor.u32 v3, v4  }
0xb8: {  	v4 =	vperm.xlane v3, v0;
	_ =	sdelay $0x1  }
0xb9: {  	v4 =	vadd.s32 v1, v4;
	_ =	sdelay $0x3  }
0xba: {  	s18 =	simm.s32 $0xC000  }
0xbb: {  	[tilespmem:s18], [sflag:$0x1] =	stream.indirect_vreg.gather [hbm4b:s3+s2], $0x80, v4, vm0, $0xb8;
	[tilespmem:$0x10100] =	vst v63  }
0xbc: {  	s17 =	simm.s32 $0xC800;
	v3 =	vperm.xlane v3, v2  }
0xbd: {  	[tilespmem:s17], [sflag:$0x1] =	stream.indirect_vreg.gather [hbm4b:s4+s2], $0x80, v4, vm0, $0xb8;
	[tilespmem:$0x10100] =	vst v63  }
0xbe: {  	v3 =	vadd.s32 v1, v3;
	s18 =	simm.s32 $0xD000  }
0xbf: {  	[tilespmem:s18], [sflag:$0x1] =	stream.indirect_vreg.gather [hbm4b:s5+s2], $0x80, v4, vm0, $0xb8;
	[tilespmem:$0x10100] =	vst v63  }
0xc0: {  	s17 =	simm.s32 $0xD800  }
0xc1: {  	[tilespmem:s17], [sflag:$0x1] =	stream.indirect_vreg.gather [hbm4b:s6+s2], $0x80, v4, vm0, $0xb8;
	[tilespmem:$0x10100] =	vst v63  }
0xc2: {  	s18 =	simm.s32 $0xE000  }
0xc3: {  	[tilespmem:s18], [sflag:$0x1] =	stream.indirect_vreg.gather [hbm4b:s3+s2], $0x80, v3, vm0, $0xb8;
	[tilespmem:$0x10100] =	vst v63  }
0xc4: {  	s17 =	simm.s32 $0xE800  }
0xc5: {  	[tilespmem:s17], [sflag:$0x1] =	stream.indirect_vreg.gather [hbm4b:s4+s2], $0x80, v3, vm0, $0xb8;
	[tilespmem:$0x10100] =	vst v63  }
0xc6: {  	s18 =	simm.s32 $0xF000  }
0xc7: {  	[tilespmem:s18], [sflag:$0x1] =	stream.indirect_vreg.gather [hbm4b:s5+s2], $0x80, v3, vm0, $0xb8;
	[tilespmem:$0x10100] =	vst v63  }
0xc8: {  	s17 =	simm.s32 $0xF800  }
0xc9: {  	[tilespmem:s17], [sflag:$0x1] =	stream.indirect_vreg.gather [hbm4b:s6+s2], $0x80, v3, vm0, $0xb8;
	[tilespmem:$0x10100] =	vst v63  }
0xca: {  	_ =	swait.ge [sflag:s16], $0x10000  }
0xcb: {  	p0 =	sne.s32 s7, $0x1;
	[sflag:s16] =	ssyncset.done $0x0  }
.Ltmp0:
0xcc: {  	s18 =	rddreg [dreg:$0x4];
	[sflag:s16] =	ssyncadd.s32 $0xFFFF0000;
	(pc) =	sbr.rel @p0 .LBB2_1-.Ltmp0, $4  }
0xcd: {  	[hbm4b:s18+s2] =	stream.linear.scatter [tilespmem:s2], [sflag:$0x2], $0x10000, $0x38;
	[tilespmem:$0x10100] =	vst v63  }
0xce: {  	_ =	swait.ge [sflag:s8], $0x10000  }
0xcf: {  	[sflag:s8] =	ssyncset.done $0x0  }
0xd0: {  	s7 =	sadd.s32 $0xFFFFFFFF, s7;
	[sflag:s8] =	ssyncadd.s32 $0xFFFF0000  }
0xd1: {  	_ =	sfence.sel $0x180000  }
0xd2: {  	[bflag:$0x0] =	sbarrier.arrive $0xFFFF  }
0xd3: {  	_ =	strace $0x9000004A  }
0xd4: {  	s0 =	stileid.u32;
	[bflag:$0x2] =	sbarrier.arrive $0xFFFF  }
0xd5: {  	p0 =	sne.s32 s0, $0x0;
	s0 =	rddreg [dreg:$0x1]  }
0xd6: {  	s0 =	sadd.s32 @!p0 $0x100000, s0  }
0xd7: {  	[sflag:s0] =	ssyncadd.tile.s32 @!p0 $0x1;
	_ =	shalt  }
.Lfunc_end2:
_tile_overlayer_lowered:
.L_overlay_start_2:
0xd8: {  	(tag) =	ssettag $0x2  }
0xd9: {  	s0 =	rddreg [dreg:$0x0];
	s2 =	stileid.u32  }
0xda: {  	s1 =	rddreg [dreg:$0x1];
	p0 =	sne.s32 s2, $0x0  }
0xdb: {  	s3 =	rddreg [dreg:$0x2];
	[bflag:$0x3] =	sbarrier.arrive $0xFFFF;
	s2 =	simm.s32 @!p0 $0x1C02  }
0xdc: {  	[timem:s3], [sflag:s2] =	dma.local @!p0 [hbm:s0], s1  }
0xdd: {  	s0 =	simm.s32 @!p0 $0x2  }
0xde: {  	_ =	swait.ge @!p0 [sflag:s0], s1  }
0xdf: {  	s1 =	ssub.s32 @!p0 $0x0, s1;
	[sflag:s0] =	ssyncset.done @!p0 $0x0  }
0xe0: {  	[sflag:s0] =	ssyncadd.s32 @!p0 s1  }
0xe1: {  	[bflag:$0x3] =	sbarrier.arrive $0xFFFF  }
0xe2: {  	_ =	shalt  }

// kernel: kernel.7.cloned.1.call-start
scs
__scs_entry_jumppad:
0x0: {  	(pc) =	sbr.rel $0x88, $3  }
0x1: {  	(tag) =	ssettag $0x0;
	lr =	simm.s32 $0x1  }
0x2: {  	[smem:$0x3F98] =	sst lr;
	_ =	strace $0xD0000000  }
0x3: {  	_ = 	snop  }
0x4: {  	_ = 	snop  }
0x5: {  	_ = 	snop  }
0x6: {  	_ = 	snop  }
0x7: {  	_ = 	snop  }
__scs_overlays_trampoline_lowered:
0x8: {  	[smem:$0x3FA7] =	sst s0  }
0x9: {  	[smem:$0x3FA8] =	sst s1  }
0xa: {  	[smem:$0x3FA9] =	sst s2  }
0xb: {  	[smem:$0x3FAA] =	sst s3  }
0xc: {  	[smem:$0x3FAB] =	sst s4  }
0xd: {  	[smem:$0x3FAC] =	sst s5  }
0xe: {  	[smem:$0x3FAD] =	sst s6  }
0xf: {  	[smem:$0x3FAE] =	sst s7  }
0x10: {  	[smem:$0x3FAF] =	sst s8  }
0x11: {  	[smem:$0x3FB0] =	sst s9;
	s0 =	simm.s32 @!p0 $0x0  }
0x12: {  	s1 =	sld [smem:$0x3F96];
	s0 =	simm.s32 @p0 $0x1  }
0x13: {  	[smem:$0x3FB1] =	sst s0;
	s0 =	simm.s32 @!p1 $0x0  }
0x14: {  	s2 =	sld [smem:$0x3F95];
	s0 =	simm.s32 @p1 $0x1  }
0x15: {  	[smem:$0x3FB2] =	sst s0;
	s0 =	simm.s32 @!p2 $0x0  }
0x16: {  	s3 =	sld [smem:$0x3FDB];
	s0 =	simm.s32 @p2 $0x1  }
0x17: {  	s4 =	simm.s32 $0x1BF5;
	[smem:$0x3FB4] =	sst s0  }
0x18: {  	s0 =	sld [smem:$0x3F97];
	_ =	swait.ge [sflag:s4], $0x0  }
0x19: {  	s7 =	sld [smem:$0x3F98]  }
0x1a: {  	s8 =	sadd.s32 $0xFFFFE003, lr  }
0x1b: {  	s9 =	sadd.s32 $0xFFFFFEF7, lr;
	s5 =	simm.s32 $0xFFFFFFFF;
	p2 =	slt.u32 s8, $0xFFFFF086  }
0x1c: {  	p1 =	slt.u32 s9, $0xF7A;
	s5 =	simm.s32 @!p2 $0x0  }
0x1d: {  	s5 =	simm.s32 @p1 $0x1;
	p0 =	seq.s32 s7, s2  }
0x1e: {  	s7 =	smul.u32 @!p0 $0xF7A, s2;
	p2 =	seq.s32 @!p0 s5, $0x0  }
0x1f: {  	s9 =	smul.u32 $0xF7A, s1;
	s8 =	simm.s32 @!p0 $0x1BF5;
	p2 =	por !p2, p0  }
0x20: {  	[sflag:s8] =	ssyncset.s32 @!p0 $0xFFFFF086;
	s6 =	sadd.s32 @!p0 s3, s7;
	s7 =	simm.s32 @!p0 $0x108  }
0x21: {  	s3 =	sadd.s32 s3, s9;
	s6 =	sadd.s32 @!p0 $0x88, s6;
	s7 =	simm.s32 @p2 $0x1082  }
0x22: {  	[simem:s7], [sflag:s8] =	dma.local @!p0 [hbm:s6], $0xF7A  }
0x23: {  	s9 =	sor.u32 $0xD0000000, s2;
	s6 =	simm.s32 $0x108;
	_ =	swait.ge @!p0 [sflag:s8], $0x0  }
0x24: {  	s3 =	sadd.s32 $0x88, s3;
	s6 =	simm.s32 @!p1 $0x1082;
	[sflag:s4] =	ssyncset.s32 $0xFFFFF086  }
0x25: {  	[simem:s6], [sflag:s4] =	dma.local [hbm:s3], $0xF7A  }
0x26: {  	[smem:$0x3F98] =	sst s1;
	(tag) =	ssettag s2;
	_ =	strace s9  }
0x27: {  	s1 =	sld [smem:$0x3FA8]  }
0x28: {  	s2 =	sld [smem:$0x3FA9]  }
0x29: {  	s4 =	sld [smem:$0x3FAB]  }
0x2a: {  	p0 =	seq.s32 s5, $0x0;
	s5 =	sld [smem:$0x3FAC]  }
0x2b: {  	s6 =	sld [smem:$0x3FAD]  }
0x2c: {  	s7 =	sld [smem:$0x3FAE]  }
0x2d: {  	s3 =	simm.s32 $0x108;
	s8 =	sld [smem:$0x3FAF]  }
0x2e: {  	s3 =	simm.s32 @!p0 $0x1082;
	s9 =	sld [smem:$0x3FB0]  }
0x2f: {  	lr =	sadd.s32 s0, s3;
	s0 =	sld [smem:$0x3FA7]  }
0x30: {  	s3 =	sld [smem:$0x3FAA]  }
0x31: {  	[smem:$0x3FB3] =	sst s10  }
0x32: {  	s10 =	sld [smem:$0x3FB1];
	_ =	sdelay $0x3  }
0x33: {  	p0 =	seq.s32 s10, $0x1;
	s10 =	sld [smem:$0x3FB3];
	_ =	sdelay $0x3  }
0x34: {  	[smem:$0x3FB3] =	sst s10  }
0x35: {  	s10 =	sld [smem:$0x3FB2];
	_ =	sdelay $0x3  }
0x36: {  	p1 =	seq.s32 s10, $0x1;
	s10 =	sld [smem:$0x3FB3];
	_ =	sdelay $0x3  }
0x37: {  	[smem:$0x3FB3] =	sst s10  }
0x38: {  	s10 =	sld [smem:$0x3FB4]  }
0x39: {  	_ = 	snop;
	(pc) =	sbr.ind lr, $3  }
0x3a: {  	_ = 	snop  }
0x3b: {  	_ = 	snop  }
0x3c: {  	p2 =	seq.s32 s10, $0x1;
	s10 =	sld [smem:$0x3FB3]  }
0x3d: {  	_ =	shalt  }
0x3e: {  	_ =	shalt  }
0x3f: {  	_ =	shalt  }
0x40: {  	_ =	shalt  }
0x41: {  	_ =	shalt  }
0x42: {  	_ =	shalt  }
0x43: {  	_ =	shalt  }
0x44: {  	_ =	shalt  }
0x45: {  	_ =	shalt  }
0x46: {  	_ =	shalt  }
0x47: {  	_ =	shalt  }
0x48: {  	_ =	shalt  }
0x49: {  	_ =	shalt  }
0x4a: {  	_ =	shalt  }
0x4b: {  	_ =	shalt  }
0x4c: {  	_ =	shalt  }
0x4d: {  	_ =	shalt  }
0x4e: {  	_ =	shalt  }
0x4f: {  	_ =	shalt  }
0x50: {  	_ =	shalt  }
0x51: {  	_ =	shalt  }
0x52: {  	_ =	shalt  }
0x53: {  	_ =	shalt  }
0x54: {  	_ =	shalt  }
0x55: {  	_ =	shalt  }
0x56: {  	_ =	shalt  }
0x57: {  	_ =	shalt  }
0x58: {  	_ =	shalt  }
0x59: {  	_ =	shalt  }
0x5a: {  	_ =	shalt  }
0x5b: {  	_ =	shalt  }
0x5c: {  	_ =	shalt  }
0x5d: {  	_ =	shalt  }
0x5e: {  	_ =	shalt  }
0x5f: {  	_ =	shalt  }
0x60: {  	_ =	shalt  }
0x61: {  	_ =	shalt  }
0x62: {  	_ =	shalt  }
0x63: {  	_ =	shalt  }
0x64: {  	_ =	shalt  }
0x65: {  	_ =	shalt  }
0x66: {  	_ =	shalt  }
0x67: {  	_ =	shalt  }
0x68: {  	_ =	shalt  }
0x69: {  	_ =	shalt  }
0x6a: {  	_ =	shalt  }
0x6b: {  	_ =	shalt  }
0x6c: {  	_ =	shalt  }
0x6d: {  	_ =	shalt  }
0x6e: {  	_ =	shalt  }
0x6f: {  	_ =	shalt  }
0x70: {  	_ =	shalt  }
0x71: {  	_ =	shalt  }
0x72: {  	_ =	shalt  }
0x73: {  	_ =	shalt  }
0x74: {  	_ =	shalt  }
0x75: {  	_ =	shalt  }
0x76: {  	_ =	shalt  }
0x77: {  	_ =	shalt  }
0x78: {  	_ =	shalt  }
0x79: {  	_ =	shalt  }
0x7a: {  	_ =	shalt  }
0x7b: {  	_ =	shalt  }
0x7c: {  	_ =	shalt  }
0x7d: {  	_ =	shalt  }
0x7e: {  	_ =	shalt  }
0x7f: {  	_ =	shalt  }
0x80: {  	_ =	shalt  }
0x81: {  	_ =	shalt  }
0x82: {  	_ =	shalt  }
0x83: {  	_ =	shalt  }
0x84: {  	_ =	shalt  }
0x85: {  	_ =	shalt  }
0x86: {  	_ =	shalt  }
0x87: {  	_ =	shalt  }
.Lfunc_end0:
.L_simem_size_0:
called_computation_lowered:
.L_overlay_start_0:
0x88: {  	s2 =	sld [smem:$0x3FD9]  }
0x89: {  	s3 =	sld [smem:$0x3FFE];
	_ =	sdelay $0x1  }
0x8a: {  	s1 =	srdreg.scid  }
0x8b: {  	s0 =	sand.u32 $0x1, s1  }
0x8c: {  	s17 =	sshll.u32 s0, $0xA;
	s2 =	sadd.s32 s3, s2  }
0x8d: {  	s2 =	sadd.s32 s2, s17  }
0x8e: {  	[smem:$0x3FBF] =	sst s2  }
0x8f: {  	_ = 	snop  }
0x90: {  	s2 =	sld [smem:$0x3FC9];
	(tm) =	ssettm $0x1  }
0x91: {  	s18 =	sld [smem:$0x3FFB];
	_ =	sdelay $0x3  }
0x92: {  	_ =	strace s18  }
0x93: {  	s3 =	sld [smem:$0x3FFC];
	_ =	sdelay $0x3  }
0x94: {  	_ =	strace s3  }
0x95: {  	s3 =	sld [smem:$0x3FFD];
	_ =	sdelay $0x3  }
0x96: {  	_ =	strace s3  }
0x97: {  	_ =	strace $0x8FFFFFFF  }
0x98: {  	s19 =	sld [smem:$0x3FDB];
	_ =	sdelay $0x1  }
0x99: {  	s4 =	simm.s32 $_scs_section_size  }
0x9a: {  	s5 =	simm.s32 $_size__tile_overlayer_lowered;
	s6 =	simm.s32 $_tile_overlayer_lowered  }
0x9b: {  	s22 =	simm.s32 $0x1BFF;
	s21 =	sshll.u32 s6, $0x1;
	s3 =	sadd.s32 s4, s19  }
0x9c: {  	s7 =	simm.s32 $0x0;
	s20 =	sshll.u32 s5, $0x1;
	s5 =	sadd.s32 s21, s3  }
0x9d: {  	[timem:s7], [sflag:s22] =	dma.local [hbm:s5], s20  }
0x9e: {  	_ =	swait.ge [sflag:s22], s20  }
0x9f: {  	s4 =	ssub.s32 $0x0, s20;
	[sflag:s22] =	ssyncset.done $0x0  }
0xa0: {  	[sflag:s22] =	ssyncadd.s32 s4;
	_ =	sdelay $0x1  }
0xa1: {  	s23 =	simm.s32 $0x1B8B  }
0xa2: {  	_ =	swait.ge [sflag:s23], $0x1  }
0xa3: {  	[sflag:s23] =	ssyncset.done $0x0  }
0xa4: {  	s25 =	simm.s32 $0x1B8E;
	s24 =	sld [smem:$0x3FFE];
	[sflag:s23] =	ssyncadd.s32 $0xFFFFFFFF  }
0xa5: {  	s26 =	simm.s32 $execute0_lowered;
	[smem:$0x3FD2] =	sst s25  }
0xa6: {  	s5 =	sshll.u32 s26, $0x1;
	_ =	strace $0x80000046;
	[dreg:$0x1] =	wrdreg $0xFFFFFFFF  }
0xa7: {  	s28 =	simm.s32 $_size_execute0_lowered;
	s3 =	sadd.s32 s3, s5;
	[dreg:$0x0] =	wrdreg $0x0  }
0xa8: {  	s5 =	sshll.u32 s28, $0x1;
	[dreg:$0x2] =	wrdreg s3  }
0xa9: {  	[dreg:$0x3] =	wrdreg s5  }
0xaa: {  	[dreg:$0x4] =	wrdreg $0xC0  }
0xab: {  	_ =	task [dreg:s7], $0x5FFFF  }
0xac: {  	[dreg:$0x1] =	wrdreg $0xFFFFFFFF  }
0xad: {  	[dreg:$0x0] =	wrdreg $0x60  }
0xae: {  	[dreg:$0x2] =	wrdreg s2  }
0xaf: {  	[dreg:$0x3] =	wrdreg s24  }
0xb0: {  	[dreg:$0x4] =	wrdreg $0x9  }
0xb1: {  	_ =	task.clear_ibuf [dreg:s7], $0x5FFFF;
	_ =	strace $0x90000046  }
0xb2: {  	s29 =	simm.s32 $0x9;
	_ =	strace $0x80000048  }
0xb3: {  	_ =	swait.ge [sflag:s29], $0x1  }
0xb4: {  	[sflag:s29] =	ssyncadd.s32 $0xFFFFFFFF  }
0xb5: {  	_ =	strace $0x90000048  }
0xb6: {  	_ =	sfence  }
0xb7: {  	s30 =	sld [smem:$0x0];
	_ =	sdelay $0x2  }
0xb8: {  	s31 =	sshll.u32 s1, $0xD;
	s1 =	sshrl.u32 s1, $0x2  }
0xb9: {  	s3 =	sand.u32 $0x4000, s31;
	s1 =	sadd.s32 s1, s30  }
0xba: {  	s0 =	sor.u32 s3, s0;
	s1 =	sshll.u32 s1, $0x11  }
0xbb: {  	s0 =	sor.u32 s1, s0  }
0xbc: {  	s0 =	sadd.s32 $0x8F2B, s0  }
0xbd: {  	[sflag:s0] =	ssyncadd.remote.s32 $0x1  }
0xbe: {  	_ =	sfence.sel $0xFFFF  }
0xbf: {  	[dreg:$0x0] =	wrdreg $0xFFFFFFFF;
	(pc) =	sbr.abs _section_cstart, $3  }
0xc0: {  	[dreg:$0x1] =	wrdreg $0xFFFFFFFF  }
0xc1: {  	_ =	task.clear_ibuf [dreg:s7], $0x2FFFF;
	_ =	strace $0x9FFFFFFF  }
0xc2: {  	(tm) =	ssettm $0x7FFFFFFF  }
0xc3: {  	_ =	shalt  }
tec
execute0_lowered:
.L_overlay_start_1:
0x0: {  	(tag) =	ssettag $0x1  }
0x1: {  	s0 =	rddreg [dreg:$0x0]  }
0x2: {  	s1 =	rddreg [dreg:$0x1]  }
0x3: {  	s3 =	srdreg.scid;
	s4 =	stileid.u32  }
0x4: {  	s2 =	simm.s32 $0x0;
	s26 =	simm.s32 $0x10000;
	s16 =	simm.s32 $0x1  }
0x5: {  	s19 =	simm.s32 $0x1800;
	s20 =	simm.s32 $0x2000;
	s21 =	simm.s32 $0x2800  }
0x6: {  	s22 =	simm.s32 $0x3000;
	s23 =	simm.s32 $0x3800;
	s28 =	simm.s32 $0x5800  }
0x7: {  	s29 =	simm.s32 $0x6000;
	s30 =	simm.s32 $0x6800;
	s31 =	simm.s32 $0x7000  }
0x8: {  	s9 =	simm.s32 $0x8800;
	s10 =	simm.s32 $0x9000;
	s11 =	simm.s32 $0x9800  }
0x9: {  	s12 =	simm.s32 $0xA000;
	s13 =	simm.s32 $0xA800;
	s14 =	simm.s32 $0xB000  }
0xa: {  	s15 =	simm.s32 $0xB800;
	s3 =	sand.u32 $0x1, s3;
	s4 =	sshll.u32 s4, $0x1  }
0xb: {  	s8 =	simm.s32 $0xC000;
	[smem:$0x7FF] =	sst s2;
	s4 =	sor.u32 s3, s4  }
0xc: {  	_ =	strace $0x80000047;
	s6 =	ssub.s32 $0x2, s3;
	s3 =	sadd.s32 $0x2600, s1  }
0xd: {  	[dreg:$0x5] =	wrdreg s26;
	s26 =	simm.s32 $0x5000;
	s5 =	sshll.u32 s4, $0x5  }
0xe: {  	s4 =	sshll.u32 s4, $0xD;
	s24 =	sshrl.u32 s6, $0x1;
	s5 =	sadd.s32 s5, s1  }
0xf: {  	s0 =	sadd.s32 s0, s4;
	s7 =	ssub.s32 s6, s24;
	s4 =	sadd.s32 $0x2700, s1  }
0x10: {  	v2 =	vlaneseq.u32;
	s6 =	sadd.s32 $0x2900, s1;
	s24 =	simm.s32 $0x4000;
	[dreg:$0x3] =	wrdreg s0  }
0x11: {  	vm0 =	vmmov $0xffff;
	v1 =	vshrl.u32 v2, $0x3;
	s25 =	sadd.s32 $0x2200, s5;
	s5 =	sadd.s32 $0x2800, s1;
	s7 =	smax.u32 s7, $0x1  }
0x12: {  	v0 =	vand.u32 $0x7, v2;
	v2 =	vor.u32 $0x8, v2;
	v1 =	vmul.u32 $0x8, v1;
	s1 =	simm.s32 $0x8000;
	[dreg:$0x4] =	wrdreg s25;
	s25 =	simm.s32 $0x4800  }
.LBB2_1:
0x13: {  	s17 =	rddreg [dreg:$0x3];
	s0 =	simm.s32 $0x2  }
0x14: {  	[tilespmem:s2], [sflag:$0x2] =	stream.linear.gather [hbm4b:s17+s2], $0x10000, $0x38;
	[tilespmem:$0x10100] =	vst v63  }
0x15: {  	_ =	swait.ge [sflag:s0], $0x10000  }
0x16: {  	s17 =	rddreg [dreg:$0x4];
	[sflag:s0] =	ssyncset.done $0x0  }
0x17: {  	s18 =	rddreg [dreg:$0x5];
	[sflag:s0] =	ssyncadd.s32 $0xFFFF0000  }
0x18: {  	[tilespmem:s18], [sflag:$0x2] =	stream.linear.gather [hbm4b:s17+s2], $0x100, $0x38;
	[tilespmem:$0x10100] =	vst v63  }
0x19: {  	_ =	swait.ge [sflag:s0], $0x100  }
0x1a: {  	[sflag:s0] =	ssyncset.done $0x0  }
0x1b: {  	[sflag:s0] =	ssyncadd.s32 $0xFFFFFF00  }
0x1c: {  	v3 =	vld [tilespmem:$0x10000];
	_ =	sdelay $0x4  }
0x1d: {  	v4 =	vshll.u32 v3, $0x3  }
0x1e: {  	v3 =	vand.u32 $0x7, v3;
	v4 =	vand.u32 $0xFFFFFFC0, v4  }
0x1f: {  	v3 =	vor.u32 v3, v4  }
0x20: {  	v4 =	vperm.xlane v3, v0;
	_ =	sdelay $0x1  }
0x21: {  	v4 =	vadd.s32 v1, v4;
	_ =	sdelay $0x4  }
0x22: {  	[hbm4b:s3+s2] =	stream.indirect_vreg.scatter [tilespmem:s2], [sflag:$0x1], $0x80, v4, vm0, $0xb8;
	[tilespmem:$0x10100] =	vst v63  }
0x23: {  	s17 =	simm.s32 $0x800;
	v3 =	vperm.xlane v3, v2  }
0x24: {  	[hbm4b:s4+s2] =	stream.indirect_vreg.scatter [tilespmem:s17], [sflag:$0x1], $0x80, v4, vm0, $0xb8;
	[tilespmem:$0x10100] =	vst v63  }
0x25: {  	s18 =	simm.s32 $0x1000;
	v3 =	vadd.s32 v1, v3  }
0x26: {  	[hbm4b:s5+s2] =	stream.indirect_vreg.scatter [tilespmem:s18], [sflag:$0x1], $0x80, v4, vm0, $0xb8;
	[tilespmem:$0x10100] =	vst v63  }
0x27: {  	_ = 	snop  }
0x28: {  	[hbm4b:s6+s2] =	stream.indirect_vreg.scatter [tilespmem:s19], [sflag:$0x1], $0x80, v4, vm0, $0xb8;
	[tilespmem:$0x10100] =	vst v63  }
0x29: {  	_ = 	snop  }
0x2a: {  	[hbm4b:s3+s2] =	stream.indirect_vreg.scatter [tilespmem:s20], [sflag:$0x1], $0x80, v3, vm0, $0xb8;
	[tilespmem:$0x10100] =	vst v63  }
0x2b: {  	_ = 	snop  }
0x2c: {  	[hbm4b:s4+s2] =	stream.indirect_vreg.scatter [tilespmem:s21], [sflag:$0x1], $0x80, v3, vm0, $0xb8;
	[tilespmem:$0x10100] =	vst v63  }
0x2d: {  	_ = 	snop  }
0x2e: {  	[hbm4b:s5+s2] =	stream.indirect_vreg.scatter [tilespmem:s22], [sflag:$0x1], $0x80, v3, vm0, $0xb8;
	[tilespmem:$0x10100] =	vst v63  }
0x2f: {  	_ = 	snop  }
0x30: {  	[hbm4b:s6+s2] =	stream.indirect_vreg.scatter [tilespmem:s23], [sflag:$0x1], $0x80, v3, vm0, $0xb8;
	[tilespmem:$0x10100] =	vst v63  }
0x31: {  	v3 =	vld [tilespmem:$0x10010];
	_ =	sdelay $0x4  }
0x32: {  	v57 =	vshll.u32 v3, $0x3  }
0x33: {  	v3 =	vand.u32 $0x7, v3;
	v4 =	vand.u32 $0xFFFFFFC0, v57  }
0x34: {  	v3 =	vor.u32 v3, v4  }
0x35: {  	v4 =	vperm.xlane v3, v0;
	_ =	sdelay $0x1  }
0x36: {  	v4 =	vadd.s32 v1, v4;
	_ =	sdelay $0x4  }
0x37: {  	[hbm4b:s3+s2] =	stream.indirect_vreg.scatter [tilespmem:s24], [sflag:$0x1], $0x80, v4, vm0, $0xb8;
	[tilespmem:$0x10100] =	vst v63  }
0x38: {  	v3 =	vperm.xlane v3, v2  }
0x39: {  	[hbm4b:s4+s2] =	stream.indirect_vreg.scatter [tilespmem:s25], [sflag:$0x1], $0x80, v4, vm0, $0xb8;
	[tilespmem:$0x10100] =	vst v63  }
0x3a: {  	v3 =	vadd.s32 v1, v3  }
0x3b: {  	[hbm4b:s5+s2] =	stream.indirect_vreg.scatter [tilespmem:s26], [sflag:$0x1], $0x80, v4, vm0, $0xb8;
	[tilespmem:$0x10100] =	vst v63  }
0x3c: {  	_ = 	snop  }
0x3d: {  	[hbm4b:s6+s2] =	stream.indirect_vreg.scatter [tilespmem:s28], [sflag:$0x1], $0x80, v4, vm0, $0xb8;
	[tilespmem:$0x10100] =	vst v63  }
0x3e: {  	_ = 	snop  }
0x3f: {  	[hbm4b:s3+s2] =	stream.indirect_vreg.scatter [tilespmem:s29], [sflag:$0x1], $0x80, v3, vm0, $0xb8;
	[tilespmem:$0x10100] =	vst v63  }
0x40: {  	_ = 	snop  }
0x41: {  	[hbm4b:s4+s2] =	stream.indirect_vreg.scatter [tilespmem:s30], [sflag:$0x1], $0x80, v3, vm0, $0xb8;
	[tilespmem:$0x10100] =	vst v63  }
0x42: {  	_ = 	snop  }
0x43: {  	[hbm4b:s5+s2] =	stream.indirect_vreg.scatter [tilespmem:s31], [sflag:$0x1], $0x80, v3, vm0, $0xb8;
	[tilespmem:$0x10100] =	vst v63  }
0x44: {  	s0 =	simm.s32 $0x7800  }
0x45: {  	[hbm4b:s6+s2] =	stream.indirect_vreg.scatter [tilespmem:s0], [sflag:$0x1], $0x80, v3, vm0, $0xb8;
	[tilespmem:$0x10100] =	vst v63  }
0x46: {  	v3 =	vld [tilespmem:$0x10020];
	_ =	sdelay $0x4  }
0x47: {  	v58 =	vshll.u32 v3, $0x3  }
0x48: {  	v3 =	vand.u32 $0x7, v3;
	v4 =	vand.u32 $0xFFFFFFC0, v58  }
0x49: {  	v3 =	vor.u32 v3, v4  }
0x4a: {  	v4 =	vperm.xlane v3, v0;
	_ =	sdelay $0x1  }
0x4b: {  	v4 =	vadd.s32 v1, v4;
	_ =	sdelay $0x4  }
0x4c: {  	[hbm4b:s3+s2] =	stream.indirect_vreg.scatter [tilespmem:s1], [sflag:$0x1], $0x80, v4, vm0, $0xb8;
	[tilespmem:$0x10100] =	vst v63  }
0x4d: {  	v3 =	vperm.xlane v3, v2  }
0x4e: {  	[hbm4b:s4+s2] =	stream.indirect_vreg.scatter [tilespmem:s9], [sflag:$0x1], $0x80, v4, vm0, $0xb8;
	[tilespmem:$0x10100] =	vst v63  }
0x4f: {  	v3 =	vadd.s32 v1, v3  }
0x50: {  	[hbm4b:s5+s2] =	stream.indirect_vreg.scatter [tilespmem:s10], [sflag:$0x1], $0x80, v4, vm0, $0xb8;
	[tilespmem:$0x10100] =	vst v63  }
0x51: {  	_ = 	snop  }
0x52: {  	[hbm4b:s6+s2] =	stream.indirect_vreg.scatter [tilespmem:s11], [sflag:$0x1], $0x80, v4, vm0, $0xb8;
	[tilespmem:$0x10100] =	vst v63  }
0x53: {  	_ = 	snop  }
0x54: {  	[hbm4b:s3+s2] =	stream.indirect_vreg.scatter [tilespmem:s12], [sflag:$0x1], $0x80, v3, vm0, $0xb8;
	[tilespmem:$0x10100] =	vst v63  }
0x55: {  	_ = 	snop  }
0x56: {  	[hbm4b:s4+s2] =	stream.indirect_vreg.scatter [tilespmem:s13], [sflag:$0x1], $0x80, v3, vm0, $0xb8;
	[tilespmem:$0x10100] =	vst v63  }
0x57: {  	_ = 	snop  }
0x58: {  	[hbm4b:s5+s2] =	stream.indirect_vreg.scatter [tilespmem:s14], [sflag:$0x1], $0x80, v3, vm0, $0xb8;
	[tilespmem:$0x10100] =	vst v63  }
0x59: {  	_ = 	snop  }
0x5a: {  	[hbm4b:s6+s2] =	stream.indirect_vreg.scatter [tilespmem:s15], [sflag:$0x1], $0x80, v3, vm0, $0xb8;
	[tilespmem:$0x10100] =	vst v63  }
0x5b: {  	v3 =	vld [tilespmem:$0x10030];
	_ =	sdelay $0x4  }
0x5c: {  	v59 =	vshll.u32 v3, $0x3  }
0x5d: {  	v3 =	vand.u32 $0x7, v3;
	v4 =	vand.u32 $0xFFFFFFC0, v59  }
0x5e: {  	v3 =	vor.u32 v3, v4  }
0x5f: {  	v4 =	vperm.xlane v3, v0;
	_ =	sdelay $0x1  }
0x60: {  	v4 =	vadd.s32 v1, v4;
	_ =	sdelay $0x4  }
0x61: {  	[hbm4b:s3+s2] =	stream.indirect_vreg.scatter [tilespmem:s8], [sflag:$0x1], $0x80, v4, vm0, $0xb8;
	[tilespmem:$0x10100] =	vst v63  }
0x62: {  	s0 =	simm.s32 $0xC800;
	v3 =	vperm.xlane v3, v2  }
0x63: {  	[hbm4b:s4+s2] =	stream.indirect_vreg.scatter [tilespmem:s0], [sflag:$0x1], $0x80, v4, vm0, $0xb8;
	[tilespmem:$0x10100] =	vst v63  }
0x64: {  	v3 =	vadd.s32 v1, v3;
	s0 =	simm.s32 $0xD000  }
0x65: {  	[hbm4b:s5+s2] =	stream.indirect_vreg.scatter [tilespmem:s0], [sflag:$0x1], $0x80, v4, vm0, $0xb8;
	[tilespmem:$0x10100] =	vst v63  }
0x66: {  	s0 =	simm.s32 $0xD800  }
0x67: {  	[hbm4b:s6+s2] =	stream.indirect_vreg.scatter [tilespmem:s0], [sflag:$0x1], $0x80, v4, vm0, $0xb8;
	[tilespmem:$0x10100] =	vst v63  }
0x68: {  	s0 =	simm.s32 $0xE000  }
0x69: {  	[hbm4b:s3+s2] =	stream.indirect_vreg.scatter [tilespmem:s0], [sflag:$0x1], $0x80, v3, vm0, $0xb8;
	[tilespmem:$0x10100] =	vst v63  }
0x6a: {  	s0 =	simm.s32 $0xE800  }
0x6b: {  	[hbm4b:s4+s2] =	stream.indirect_vreg.scatter [tilespmem:s0], [sflag:$0x1], $0x80, v3, vm0, $0xb8;
	[tilespmem:$0x10100] =	vst v63  }
0x6c: {  	s0 =	simm.s32 $0xF000  }
0x6d: {  	[hbm4b:s5+s2] =	stream.indirect_vreg.scatter [tilespmem:s0], [sflag:$0x1], $0x80, v3, vm0, $0xb8;
	[tilespmem:$0x10100] =	vst v63  }
0x6e: {  	s0 =	simm.s32 $0xF800  }
0x6f: {  	[hbm4b:s6+s2] =	stream.indirect_vreg.scatter [tilespmem:s0], [sflag:$0x1], $0x80, v3, vm0, $0xb8;
	[tilespmem:$0x10100] =	vst v63  }
0x70: {  	_ =	swait.ge [sflag:s16], $0x10000  }
0x71: {  	[sflag:s16] =	ssyncset.done $0x0  }
0x72: {  	[sflag:s16] =	ssyncadd.s32 $0xFFFF0000  }
0x73: {  	v3 =	vld [tilespmem:$0x10080];
	_ =	sdelay $0x4  }
0x74: {  	v60 =	vshll.u32 v3, $0x3  }
0x75: {  	v3 =	vand.u32 $0x7, v3;
	v4 =	vand.u32 $0xFFFFFFC0, v60  }
0x76: {  	v3 =	vor.u32 v3, v4  }
0x77: {  	v4 =	vperm.xlane v3, v0;
	_ =	sdelay $0x1  }
0x78: {  	v4 =	vadd.s32 v1, v4;
	_ =	sdelay $0x4  }
0x79: {  	[hbm4b:s3+s2] =	stream.indirect_vreg.scatter [tilespmem:s2], [sflag:$0x1], $0x80, v4, vm0, $0xb8;
	[tilespmem:$0x10100] =	vst v63  }
0x7a: {  	v3 =	vperm.xlane v3, v2  }
0x7b: {  	[hbm4b:s4+s2] =	stream.indirect_vreg.scatter [tilespmem:s17], [sflag:$0x1], $0x80, v4, vm0, $0xb8;
	[tilespmem:$0x10100] =	vst v63  }
0x7c: {  	v3 =	vadd.s32 v1, v3  }
0x7d: {  	[hbm4b:s5+s2] =	stream.indirect_vreg.scatter [tilespmem:s18], [sflag:$0x1], $0x80, v4, vm0, $0xb8;
	[tilespmem:$0x10100] =	vst v63  }
0x7e: {  	_ = 	snop  }
0x7f: {  	[hbm4b:s6+s2] =	stream.indirect_vreg.scatter [tilespmem:s19], [sflag:$0x1], $0x80, v4, vm0, $0xb8;
	[tilespmem:$0x10100] =	vst v63  }
0x80: {  	_ = 	snop  }
0x81: {  	[hbm4b:s3+s2] =	stream.indirect_vreg.scatter [tilespmem:s20], [sflag:$0x1], $0x80, v3, vm0, $0xb8;
	[tilespmem:$0x10100] =	vst v63  }
0x82: {  	_ = 	snop  }
0x83: {  	[hbm4b:s4+s2] =	stream.indirect_vreg.scatter [tilespmem:s21], [sflag:$0x1], $0x80, v3, vm0, $0xb8;
	[tilespmem:$0x10100] =	vst v63  }
0x84: {  	_ = 	snop  }
0x85: {  	[hbm4b:s5+s2] =	stream.indirect_vreg.scatter [tilespmem:s22], [sflag:$0x1], $0x80, v3, vm0, $0xb8;
	[tilespmem:$0x10100] =	vst v63  }
0x86: {  	_ = 	snop  }
0x87: {  	[hbm4b:s6+s2] =	stream.indirect_vreg.scatter [tilespmem:s23], [sflag:$0x1], $0x80, v3, vm0, $0xb8;
	[tilespmem:$0x10100] =	vst v63  }
0x88: {  	v3 =	vld [tilespmem:$0x10090];
	_ =	sdelay $0x4  }
0x89: {  	v61 =	vshll.u32 v3, $0x3  }
0x8a: {  	v3 =	vand.u32 $0x7, v3;
	v4 =	vand.u32 $0xFFFFFFC0, v61  }
0x8b: {  	v3 =	vor.u32 v3, v4  }
0x8c: {  	v4 =	vperm.xlane v3, v0;
	_ =	sdelay $0x1  }
0x8d: {  	v4 =	vadd.s32 v1, v4;
	_ =	sdelay $0x4  }
0x8e: {  	[hbm4b:s3+s2] =	stream.indirect_vreg.scatter [tilespmem:s24], [sflag:$0x1], $0x80, v4, vm0, $0xb8;
	[tilespmem:$0x10100] =	vst v63  }
0x8f: {  	v3 =	vperm.xlane v3, v2  }
0x90: {  	[hbm4b:s4+s2] =	stream.indirect_vreg.scatter [tilespmem:s25], [sflag:$0x1], $0x80, v4, vm0, $0xb8;
	[tilespmem:$0x10100] =	vst v63  }
0x91: {  	v3 =	vadd.s32 v1, v3  }
0x92: {  	[hbm4b:s5+s2] =	stream.indirect_vreg.scatter [tilespmem:s26], [sflag:$0x1], $0x80, v4, vm0, $0xb8;
	[tilespmem:$0x10100] =	vst v63  }
0x93: {  	_ = 	snop  }
0x94: {  	[hbm4b:s6+s2] =	stream.indirect_vreg.scatter [tilespmem:s28], [sflag:$0x1], $0x80, v4, vm0, $0xb8;
	[tilespmem:$0x10100] =	vst v63  }
0x95: {  	_ = 	snop  }
0x96: {  	[hbm4b:s3+s2] =	stream.indirect_vreg.scatter [tilespmem:s29], [sflag:$0x1], $0x80, v3, vm0, $0xb8;
	[tilespmem:$0x10100] =	vst v63  }
0x97: {  	_ = 	snop  }
0x98: {  	[hbm4b:s4+s2] =	stream.indirect_vreg.scatter [tilespmem:s30], [sflag:$0x1], $0x80, v3, vm0, $0xb8;
	[tilespmem:$0x10100] =	vst v63  }
0x99: {  	_ = 	snop  }
0x9a: {  	[hbm4b:s5+s2] =	stream.indirect_vreg.scatter [tilespmem:s31], [sflag:$0x1], $0x80, v3, vm0, $0xb8;
	[tilespmem:$0x10100] =	vst v63  }
0x9b: {  	s17 =	simm.s32 $0x7800  }
0x9c: {  	[hbm4b:s6+s2] =	stream.indirect_vreg.scatter [tilespmem:s17], [sflag:$0x1], $0x80, v3, vm0, $0xb8;
	[tilespmem:$0x10100] =	vst v63  }
0x9d: {  	v3 =	vld [tilespmem:$0x100A0];
	_ =	sdelay $0x4  }
0x9e: {  	v62 =	vshll.u32 v3, $0x3  }
0x9f: {  	v3 =	vand.u32 $0x7, v3;
	v4 =	vand.u32 $0xFFFFFFC0, v62  }
0xa0: {  	v3 =	vor.u32 v3, v4  }
0xa1: {  	v4 =	vperm.xlane v3, v0;
	_ =	sdelay $0x1  }
0xa2: {  	v4 =	vadd.s32 v1, v4;
	_ =	sdelay $0x4  }
0xa3: {  	[hbm4b:s3+s2] =	stream.indirect_vreg.scatter [tilespmem:s1], [sflag:$0x1], $0x80, v4, vm0, $0xb8;
	[tilespmem:$0x10100] =	vst v63  }
0xa4: {  	v3 =	vperm.xlane v3, v2  }
0xa5: {  	[hbm4b:s4+s2] =	stream.indirect_vreg.scatter [tilespmem:s9], [sflag:$0x1], $0x80, v4, vm0, $0xb8;
	[tilespmem:$0x10100] =	vst v63  }
0xa6: {  	v3 =	vadd.s32 v1, v3  }
0xa7: {  	[hbm4b:s5+s2] =	stream.indirect_vreg.scatter [tilespmem:s10], [sflag:$0x1], $0x80, v4, vm0, $0xb8;
	[tilespmem:$0x10100] =	vst v63  }
0xa8: {  	_ = 	snop  }
0xa9: {  	[hbm4b:s6+s2] =	stream.indirect_vreg.scatter [tilespmem:s11], [sflag:$0x1], $0x80, v4, vm0, $0xb8;
	[tilespmem:$0x10100] =	vst v63  }
0xaa: {  	_ = 	snop  }
0xab: {  	[hbm4b:s3+s2] =	stream.indirect_vreg.scatter [tilespmem:s12], [sflag:$0x1], $0x80, v3, vm0, $0xb8;
	[tilespmem:$0x10100] =	vst v63  }
0xac: {  	_ = 	snop  }
0xad: {  	[hbm4b:s4+s2] =	stream.indirect_vreg.scatter [tilespmem:s13], [sflag:$0x1], $0x80, v3, vm0, $0xb8;
	[tilespmem:$0x10100] =	vst v63  }
0xae: {  	_ = 	snop  }
0xaf: {  	[hbm4b:s5+s2] =	stream.indirect_vreg.scatter [tilespmem:s14], [sflag:$0x1], $0x80, v3, vm0, $0xb8;
	[tilespmem:$0x10100] =	vst v63  }
0xb0: {  	_ = 	snop  }
0xb1: {  	[hbm4b:s6+s2] =	stream.indirect_vreg.scatter [tilespmem:s15], [sflag:$0x1], $0x80, v3, vm0, $0xb8;
	[tilespmem:$0x10100] =	vst v63  }
0xb2: {  	v3 =	vld [tilespmem:$0x100B0];
	_ =	sdelay $0x4  }
0xb3: {  	v63 =	vshll.u32 v3, $0x3  }
0xb4: {  	v3 =	vand.u32 $0x7, v3;
	v4 =	vand.u32 $0xFFFFFFC0, v63  }
0xb5: {  	v3 =	vor.u32 v3, v4  }
0xb6: {  	v4 =	vperm.xlane v3, v0;
	_ =	sdelay $0x1  }
0xb7: {  	v4 =	vadd.s32 v1, v4;
	_ =	sdelay $0x4  }
0xb8: {  	[hbm4b:s3+s2] =	stream.indirect_vreg.scatter [tilespmem:s8], [sflag:$0x1], $0x80, v4, vm0, $0xb8;
	[tilespmem:$0x10100] =	vst v63  }
0xb9: {  	s18 =	simm.s32 $0xC800;
	v3 =	vperm.xlane v3, v2  }
0xba: {  	[hbm4b:s4+s2] =	stream.indirect_vreg.scatter [tilespmem:s18], [sflag:$0x1], $0x80, v4, vm0, $0xb8;
	[tilespmem:$0x10100] =	vst v63  }
0xbb: {  	s17 =	simm.s32 $0xD000;
	v3 =	vadd.s32 v1, v3  }
0xbc: {  	[hbm4b:s5+s2] =	stream.indirect_vreg.scatter [tilespmem:s17], [sflag:$0x1], $0x80, v4, vm0, $0xb8;
	[tilespmem:$0x10100] =	vst v63  }
0xbd: {  	s18 =	simm.s32 $0xD800  }
0xbe: {  	[hbm4b:s6+s2] =	stream.indirect_vreg.scatter [tilespmem:s18], [sflag:$0x1], $0x80, v4, vm0, $0xb8;
	[tilespmem:$0x10100] =	vst v63  }
0xbf: {  	s17 =	simm.s32 $0xE000  }
0xc0: {  	[hbm4b:s3+s2] =	stream.indirect_vreg.scatter [tilespmem:s17], [sflag:$0x1], $0x80, v3, vm0, $0xb8;
	[tilespmem:$0x10100] =	vst v63  }
0xc1: {  	s18 =	simm.s32 $0xE800  }
0xc2: {  	[hbm4b:s4+s2] =	stream.indirect_vreg.scatter [tilespmem:s18], [sflag:$0x1], $0x80, v3, vm0, $0xb8;
	[tilespmem:$0x10100] =	vst v63  }
0xc3: {  	p0 =	sne.s32 s7, $0x1;
	s17 =	simm.s32 $0xF000  }
0xc4: {  	[hbm4b:s5+s2] =	stream.indirect_vreg.scatter [tilespmem:s17], [sflag:$0x1], $0x80, v3, vm0, $0xb8;
	[tilespmem:$0x10100] =	vst v63  }
.Ltmp0:
0xc5: {  	s18 =	simm.s32 $0xF800;
	(pc) =	sbr.rel @p0 .LBB2_1-.Ltmp0, $4  }
0xc6: {  	[hbm4b:s6+s2] =	stream.indirect_vreg.scatter [tilespmem:s18], [sflag:$0x1], $0x80, v3, vm0, $0xb8;
	[tilespmem:$0x10100] =	vst v63  }
0xc7: {  	_ =	swait.ge [sflag:s16], $0x10000  }
0xc8: {  	[sflag:s16] =	ssyncset.done $0x0  }
0xc9: {  	s7 =	sadd.s32 $0xFFFFFFFF, s7;
	[sflag:s16] =	ssyncadd.s32 $0xFFFF0000  }
0xca: {  	_ =	sfence.sel $0x180000  }
0xcb: {  	[bflag:$0x0] =	sbarrier.arrive $0xFFFF  }
0xcc: {  	_ =	strace $0x90000047  }
0xcd: {  	s0 =	stileid.u32;
	[bflag:$0x2] =	sbarrier.arrive $0xFFFF  }
0xce: {  	p0 =	sne.s32 s0, $0x0;
	s0 =	rddreg [dreg:$0x2]  }
0xcf: {  	s0 =	sadd.s32 @!p0 $0x100000, s0  }
0xd0: {  	[sflag:s0] =	ssyncadd.tile.s32 @!p0 $0x1;
	_ =	shalt  }
.Lfunc_end2:
_tile_overlayer_lowered:
.L_overlay_start_2:
0xd1: {  	(tag) =	ssettag $0x2  }
0xd2: {  	s0 =	rddreg [dreg:$0x0];
	s2 =	stileid.u32  }
0xd3: {  	s1 =	rddreg [dreg:$0x1];
	p0 =	sne.s32 s2, $0x0  }
0xd4: {  	s3 =	rddreg [dreg:$0x2];
	[bflag:$0x3] =	sbarrier.arrive $0xFFFF;
	s2 =	simm.s32 @!p0 $0x1C02  }
0xd5: {  	[timem:s3], [sflag:s2] =	dma.local @!p0 [hbm:s0], s1  }
0xd6: {  	s0 =	simm.s32 @!p0 $0x2  }
0xd7: {  	_ =	swait.ge @!p0 [sflag:s0], s1  }
0xd8: {  	s1 =	ssub.s32 @!p0 $0x0, s1;
	[sflag:s0] =	ssyncset.done @!p0 $0x0  }
0xd9: {  	[sflag:s0] =	ssyncadd.s32 @!p0 s1  }
0xda: {  	[bflag:$0x3] =	sbarrier.arrive $0xFFFF  }
0xdb: {  	_ =	shalt  }

</sc_bundles>
